<compile_context>
chip_gen: v7x
topology: tpu7x:2x2x1
jax: 0.10.2.dev20260603
libtpu: 0.0.44.dev20260713+nightly
codegen_flags: <defaults>
</compile_context>

<pallas_src>
import functools

import jax
import jax.numpy as jnp
from jax import lax
from jax.experimental import pallas as pl
from jax.experimental.pallas import tpu as pltpu
from jax.experimental.pallas import tpu_sc as plsc

NC = 2
NS = 16
NW = NC * NS
CHUNK = 80
ZROWS = 32


def _sc_aggregate(table, src_flat, dst3, agg_rows):
    n_rows, d = table.shape
    per_w = src_flat.shape[0] // NW
    cpw = per_w // CHUNK
    stripe = agg_rows // NS

    mesh = plsc.VectorSubcoreMesh(core_axis_name="c", subcore_axis_name="s")

    @functools.partial(
        pl.kernel,
        mesh=mesh,
        compiler_params=pltpu.CompilerParams(use_tc_tiling_on_sc=False),
        out_type=jax.ShapeDtypeStruct((NC, agg_rows, d), jnp.float32),
        scratch_types=[
            pltpu.VMEM((per_w,), jnp.int32),
            pltpu.VMEM((cpw, CHUNK), jnp.int32),
            pltpu.VMEM((CHUNK, d), jnp.float32),
            pltpu.VMEM((CHUNK, d), jnp.float32),
            pltpu.VMEM((ZROWS, d), jnp.float32),
            pltpu.VMEM_SHARED((agg_rows, d), jnp.float32),
            pltpu.SemaphoreType.DMA,
            pltpu.SemaphoreType.DMA,
            pltpu.SemaphoreType.DMA,
        ],
    )
    def k(tab_hbm, src_hbm, dst_hbm, out_hbm,
          src_v, dst_v, rows_a, rows_b, zbuf, agg_sh, sem_a, sem_b, zsem):
        c = lax.axis_index("c")
        s = lax.axis_index("s")
        wid = s * NC + c

        cp_src = pltpu.async_copy(src_hbm.at[pl.ds(wid * per_w, per_w)],
                                  src_v, sem_a)
        cp_dst = pltpu.async_copy(dst_hbm.at[wid], dst_v, sem_b)

        @pl.loop(0, ZROWS)
        def _(r):
            @pl.loop(0, d // 16)
            def _(cc):
                zbuf.at[r, pl.ds(cc * 16, 16)][...] = jnp.zeros((16,), jnp.float32)

        stripe0 = s * stripe

        nz = stripe // ZROWS
        zc = [pltpu.async_copy(zbuf, agg_sh.at[pl.ds(stripe0 + t * ZROWS, ZROWS)],
                               zsem)
              for t in range(2)]
        for t in range(2, nz):
            zc[t % 2].wait()
            zc[t % 2] = pltpu.async_copy(
                zbuf, agg_sh.at[pl.ds(stripe0 + t * ZROWS, ZROWS)], zsem)
        zc[0].wait()
        zc[1].wait()

        cp_src.wait()
        cp_dst.wait()
        plsc.subcore_barrier()

        pltpu.async_copy(tab_hbm.at[src_v.at[pl.ds(0, CHUNK)]], rows_a, sem_a)

        @pl.loop(0, cpw // 2)
        def _(jh):
            j = jh * 2
            pltpu.async_copy(
                tab_hbm.at[src_v.at[pl.ds((j + 1) * CHUNK, CHUNK)]],
                rows_b, sem_b)
            pltpu.make_async_copy(
                tab_hbm.at[src_v.at[pl.ds(j * CHUNK, CHUNK)]],
                rows_a, sem_a).wait()
            pltpu.sync_copy(rows_a, agg_sh.at[dst_v.at[j]], add=True)

            @pl.when(j + 2 < cpw)
            def _():
                pltpu.async_copy(
                    tab_hbm.at[src_v.at[pl.ds((j + 2) * CHUNK, CHUNK)]],
                    rows_a, sem_a)
            pltpu.make_async_copy(
                tab_hbm.at[src_v.at[pl.ds((j + 1) * CHUNK, CHUNK)]],
                rows_b, sem_b).wait()
            pltpu.sync_copy(rows_b, agg_sh.at[dst_v.at[j + 1]], add=True)

        if cpw % 2:
            pltpu.make_async_copy(
                tab_hbm.at[src_v.at[pl.ds((cpw - 1) * CHUNK, CHUNK)]],
                rows_a, sem_a).wait()
            pltpu.sync_copy(rows_a, agg_sh.at[dst_v.at[cpw - 1]], add=True)

        plsc.subcore_barrier()
        pltpu.sync_copy(agg_sh.at[pl.ds(stripe0, stripe)],
                        out_hbm.at[c, pl.ds(stripe0, stripe)])

    return k(table, src_flat, dst3)


def _tc_layer(partials, w, b2d, n, blk):
    _, _, d = partials.shape

    def body(p_ref, w_ref, b_ref, h_ref):
        s = p_ref[0] + p_ref[1]
        acc = jnp.dot(s, w_ref[...], preferred_element_type=jnp.float32)
        h_ref[...] = jnp.maximum(acc + b_ref[...], 0.0)

    return pl.pallas_call(
        body,
        grid=(n // blk,),
        in_specs=[
            pl.BlockSpec((NC, blk, d), lambda i: (0, i, 0)),
            pl.BlockSpec((d, d), lambda i: (0, 0)),
            pl.BlockSpec((1, d), lambda i: (0, 0)),
        ],
        out_specs=pl.BlockSpec((blk, d), lambda i: (i, 0)),
        out_shape=jax.ShapeDtypeStruct((n, d), jnp.float32),
    )(partials, w, b2d)


def _tc_final(partials, w2, b2d, batch3, wc, bc2d, n, blk, g):
    _, _, d = partials.shape
    nblk = n // blk

    def body(p_ref, w_ref, b_ref, bat_ref, wc_ref, bc_ref, out_ref,
             pooled_acc, counts_acc):
        i = pl.program_id(0)

        @pl.when(i == 0)
        def _():
            pooled_acc[...] = jnp.zeros((g, d), jnp.float32)
            counts_acc[...] = jnp.zeros((1, g), jnp.float32)

        s = p_ref[0] + p_ref[1]
        h = jnp.maximum(
            jnp.dot(s, w_ref[...], preferred_element_type=jnp.float32)
            + b_ref[...], 0.0)
        bblk = bat_ref[...].reshape(1, blk)
        gid = lax.broadcasted_iota(jnp.int32, (g, blk), 0)
        oht = (gid == bblk).astype(jnp.float32)
        pooled_acc[...] += jnp.dot(oht, h, preferred_element_type=jnp.float32,
                                   precision=lax.Precision.HIGHEST)
        counts_acc[...] += jnp.sum(oht, axis=1)[None, :]

        @pl.when(i == nblk - 1)
        def _():
            counts = jnp.maximum(counts_acc[...].reshape(g, 1), 1.0)
            pooled = pooled_acc[...] / counts
            out_ref[...] = jnp.dot(
                pooled, wc_ref[...], preferred_element_type=jnp.float32
            ) + bc_ref[...]

    return pl.pallas_call(
        body,
        grid=(nblk,),
        in_specs=[
            pl.BlockSpec((NC, blk, d), lambda i: (0, i, 0)),
            pl.BlockSpec((d, d), lambda i: (0, 0)),
            pl.BlockSpec((1, d), lambda i: (0, 0)),
            pl.BlockSpec((1, 1, blk), lambda i: (i, 0, 0)),
            pl.BlockSpec((d, 1), lambda i: (0, 0)),
            pl.BlockSpec((1, 1), lambda i: (0, 0)),
        ],
        out_specs=pl.BlockSpec((g, 1), lambda i: (0, 0)),
        out_shape=jax.ShapeDtypeStruct((g, 1), jnp.float32),
        scratch_shapes=[
            pltpu.VMEM((g, d), jnp.float32),
            pltpu.VMEM((1, g), jnp.float32),
        ],
    )(partials, w2, b2d, batch3, wc, bc2d)


def kernel(x, edge_index, batch, W1, b1, W2, b2, Wc, bc):
    n, d = x.shape
    e = edge_index.shape[1]
    g = 512
    blk = 1000

    e_pad = -(-e // (NW * CHUNK)) * CHUNK * NW
    stripe = -(-(n // NS) // ZROWS) * ZROWS
    agg_rows = stripe * NS

    src = edge_index[0]
    dst = edge_index[1]
    pad = e_pad - e
    if pad:
        src = jnp.concatenate([src, jnp.zeros((pad,), src.dtype)])
        dst = jnp.concatenate([dst, jnp.full((pad,), n, dst.dtype)])
    per_w = e_pad // NW
    dst3 = dst.reshape(NW, per_w // CHUNK, CHUNK)

    b1r = b1.reshape(1, d)
    b2r = b2.reshape(1, d)
    bcr = bc.reshape(1, 1)
    batch3 = batch.reshape(n // blk, 1, blk)

    p1 = _sc_aggregate(x, src, dst3, agg_rows)
    h1 = _tc_layer(p1, W1, b1r, n, blk)
    p2 = _sc_aggregate(h1, src, dst3, agg_rows)
    out = _tc_final(p2, W2, b2r, batch3, Wc, bcr, n, blk, g)
    return out

# --- scband reference (transcript-rebuilt; emitter-appended) ---
"""Pipeline reference for scband-gnnwrapper-4217657884864 (READ-ONLY COPY).

The authoritative reference and input builder live on the scoring server;
editing this copy changes nothing except your own understanding.
"""

import jax, jax.numpy as jnp
import numpy as np

N = 10000   # nodes
E = 320000  # edges
D = 128     # in_channels
H = 128     # hidden_channels
G = 512     # graphs in batch


def setup_inputs(seed: int = 0) -> dict:
    key = jax.random.key(seed)
    ks = jax.random.split(key, 10)
    x = jax.random.normal(ks[0], (N, D), dtype=jnp.float32)
    edge_index = jax.random.randint(ks[1], (2, E), 0, N)
    batch = jnp.sort(jax.random.randint(ks[2], (N,), 0, G))
    # GNN layer weights (simple GCN-style aggregate + linear per layer)
    W1 = jax.random.normal(ks[3], (D, H), dtype=jnp.float32) * 0.05
    b1 = jnp.zeros((H,), dtype=jnp.float32)
    W2 = jax.random.normal(ks[4], (H, H), dtype=jnp.float32) * 0.05
    b2 = jnp.zeros((H,), dtype=jnp.float32)
    # classifier head
    Wc = jax.random.normal(ks[5], (H, 1), dtype=jnp.float32) * 0.05
    bc = jnp.zeros((1,), dtype=jnp.float32)
    return {"x": x, "edge_index": edge_index, "batch": batch,
            "W1": W1, "b1": b1, "W2": W2, "b2": b2, "Wc": Wc, "bc": bc}


def reference(x, edge_index, batch, W1, b1, W2, b2, Wc, bc):
    src = edge_index[0]
    dst = edge_index[1]
    # --- GNN layer 1: gather messages from src, scatter-add to dst ---
    m = jnp.take(x, src, axis=0)
    agg = jax.ops.segment_sum(m, dst, num_segments=N)
    h = jax.nn.relu(agg @ W1 + b1)
    # --- GNN layer 2 ---
    m = jnp.take(h, src, axis=0)
    agg = jax.ops.segment_sum(m, dst, num_segments=N)
    h = jax.nn.relu(agg @ W2 + b2)
    # --- global_mean_pool over graphs ---
    sums = jax.ops.segment_sum(h, batch, num_segments=G)
    counts = jax.ops.segment_sum(jnp.ones((N, 1), dtype=h.dtype), batch, num_segments=G)
    pooled = sums / jnp.maximum(counts, 1.0)
    # --- classifier ---
    out = pooled @ Wc + bc
    return out

if __name__ == "__main__":
    import jax
    _d = setup_inputs()
    print(jax.jit(kernel)(*tuple(_d.values())))

</pallas_src>

<mosaic_0001>
#map = affine_map<(d0, d1) -> (0, 0)>
#map1 = affine_map<(d0, d1) -> (0)>
#map2 = affine_map<(d0, d1) -> (0, 0, 0)>
module attributes {stable_mosaic.version = 14 : i64} {
  func.func @k(%arg0: i32, %arg1: i32, %arg2: memref<10000x128xf32, #tpu.memory_space<hbm>>, %arg3: memref<320000xi32, #tpu.memory_space<hbm>>, %arg4: memref<32x125x80xi32, #tpu.memory_space<hbm>>, %arg5: memref<2x10240x128xf32, #tpu.memory_space<hbm>>, %arg6: memref<10000xi32, #tpu.memory_space<vmem>>, %arg7: memref<125x80xi32, #tpu.memory_space<vmem>>, %arg8: memref<80x128xf32, #tpu.memory_space<vmem>>, %arg9: memref<80x128xf32, #tpu.memory_space<vmem>>, %arg10: memref<32x128xf32, #tpu.memory_space<vmem>>, %arg11: memref<10240x128xf32, #tpu.memory_space<vmem_shared>>, %arg12: memref<!tpu.dma_semaphore, #tpu.memory_space<semaphore_mem>>, %arg13: memref<!tpu.dma_semaphore, #tpu.memory_space<semaphore_mem>>, %arg14: memref<!tpu.dma_semaphore, #tpu.memory_space<semaphore_mem>>) attributes {dimension_semantics = [#tpu.dimension_semantics<core_parallel>, #tpu.dimension_semantics<subcore_parallel>], iteration_bounds = array<i64: 2, 16>, scalar_prefetch = 0 : i64, scratch_operands = 9 : i64, tpu.core_type = #tpu.core_type<sc_vector_subcore>, window_params = [{transform_indices = #map}, {transform_indices = #map1}, {transform_indices = #map2}, {transform_indices = #map2}]} {
    %mul3A = arith.constant 2 : i32
    %mul3A_0 = arith.muli %arg1, %mul3A : i32
    %add3A = arith.addi %mul3A_0, %arg0 : i32
    %mul3A_1 = arith.constant 10000 : i32
    %mul3A_2 = arith.muli %add3A, %mul3A_1 : i32
    %dma_start3A = tpu.memref_slice %arg3[%mul3A_2] : memref<320000xi32, #tpu.memory_space<hbm>> -> memref<10000xi32, #tpu.memory_space<hbm>>
    %dma_start3A_3 = tpu.memref_slice %arg3[%mul3A_2] : memref<320000xi32, #tpu.memory_space<hbm>> -> memref<10000xi32, #tpu.memory_space<hbm>>
    tpu.enqueue_dma source(%dma_start3A_3 : memref<10000xi32, #tpu.memory_space<hbm>>) target(%arg6 : memref<10000xi32, #tpu.memory_space<vmem>>) target_semaphore(%arg12 : memref<!tpu.dma_semaphore, #tpu.memory_space<semaphore_mem>>)
    %dma_start3A_4 = arith.constant 0 : i32
    %dma_start3A_5 = arith.constant 0 : i32
    %dma_start3A_6 = tpu.memref_slice %arg4[%add3A, %dma_start3A_4, %dma_start3A_5] : memref<32x125x80xi32, #tpu.memory_space<hbm>> -> memref<1x125x80xi32, #tpu.memory_space<hbm>>
    %dma_start3A_7 = tpu.memref_squeeze %dma_start3A_6 : memref<1x125x80xi32, #tpu.memory_space<hbm>> -> memref<125x80xi32, #tpu.memory_space<hbm>>
    %dma_start3A_8 = arith.constant 0 : i32
    %dma_start3A_9 = arith.constant 0 : i32
    %dma_start3A_10 = tpu.memref_slice %arg4[%add3A, %dma_start3A_8, %dma_start3A_9] : memref<32x125x80xi32, #tpu.memory_space<hbm>> -> memref<1x125x80xi32, #tpu.memory_space<hbm>>
    %dma_start3A_11 = tpu.memref_squeeze %dma_start3A_10 : memref<1x125x80xi32, #tpu.memory_space<hbm>> -> memref<125x80xi32, #tpu.memory_space<hbm>>
    tpu.enqueue_dma source(%dma_start3A_11 : memref<125x80xi32, #tpu.memory_space<hbm>>) target(%arg7 : memref<125x80xi32, #tpu.memory_space<vmem>>) target_semaphore(%arg13 : memref<!tpu.dma_semaphore, #tpu.memory_space<semaphore_mem>>)
    %scan3A = arith.constant 0 : i32
    %scan3A_12 = arith.constant 32 : i32
    %scan3A_13 = arith.addi %scan3A, %scan3A_12 : i32
    %scan3A_14 = arith.constant 1 : i32
    scf.for %scan3A_243 = %scan3A to %scan3A_13 step %scan3A_14  : i32 {
      %mul3A_244 = arith.constant 1 : i32
      %mul3A_245 = arith.muli %scan3A_243, %mul3A_244 : i32
      %add3A_246 = arith.constant 0 : i32
      %add3A_247 = arith.addi %add3A_246, %mul3A_245 : i32
      %scan3A_248 = arith.constant 0 : i32
      %scan3A_249 = arith.constant 8 : i32
      %scan3A_250 = arith.addi %scan3A_248, %scan3A_249 : i32
      %scan3A_251 = arith.constant 1 : i32
      scf.for %scan3A_253 = %scan3A_248 to %scan3A_250 step %scan3A_251  : i32 {
        %mul3A_254 = arith.constant 1 : i32
        %mul3A_255 = arith.muli %scan3A_253, %mul3A_254 : i32
        %add3A_256 = arith.constant 0 : i32
        %add3A_257 = arith.addi %add3A_256, %mul3A_255 : i32
        %broadcast_in_dim3A = arith.constant 0.000000e+00 : f32
        %broadcast_in_dim3A_258 = vector.broadcast %broadcast_in_dim3A : f32 to vector<16xf32>
        %mul3A_259 = arith.constant 16 : i32
        %mul3A_260 = arith.muli %add3A_257, %mul3A_259 : i32
        %swap3A = arith.index_cast %add3A_247 : i32 to index
        %swap3A_261 = arith.index_cast %mul3A_260 : i32 to index
        %swap3A_262 = tpu.vector_load %arg10[%swap3A, %swap3A_261] {strides = array<i32>} : memref<32x128xf32, #tpu.memory_space<vmem>>, vector<1x16xf32>,
        %swap3A_263 = vector.shape_cast %swap3A_262 : vector<1x16xf32> to vector<16xf32>
        %swap3A_264 = vector.shape_cast %broadcast_in_dim3A_258 : vector<16xf32> to vector<1x16xf32>
        tpu.vector_store %arg10[%swap3A, %swap3A_261], %swap3A_264 {strides = array<i32>} : memref<32x128xf32, #tpu.memory_space<vmem>>, vector<1x16xf32>,
      }
      %scan3A_252 = arith.constant 8 : i32
    }
    %scan3A_15 = arith.constant 32 : i32
    %mul3A_16 = arith.constant 640 : i32
    %mul3A_17 = arith.muli %arg1, %mul3A_16 : i32
    %add3A_18 = arith.constant 0 : i32
    %add3A_19 = arith.addi %mul3A_17, %add3A_18 : i32
    %dma_start3A_20 = arith.constant 0 : i32
    %dma_start3A_21 = tpu.memref_slice %arg11[%add3A_19, %dma_start3A_20] : memref<10240x128xf32, #tpu.memory_space<vmem_shared>> -> memref<32x128xf32, #tpu.memory_space<vmem_shared>>
    %dma_start3A_22 = arith.constant 0 : i32
    %dma_start3A_23 = tpu.memref_slice %arg11[%add3A_19, %dma_start3A_22] : memref<10240x128xf32, #tpu.memory_space<vmem_shared>> -> memref<32x128xf32, #tpu.memory_space<vmem_shared>>
    tpu.enqueue_dma source(%arg10 : memref<32x128xf32, #tpu.memory_space<vmem>>) target(%dma_start3A_23 : memref<32x128xf32, #tpu.memory_space<vmem_shared>>) target_semaphore(%arg14 : memref<!tpu.dma_semaphore, #tpu.memory_space<semaphore_mem>>)
    %add3A_24 = arith.constant 32 : i32
    %add3A_25 = arith.addi %mul3A_17, %add3A_24 : i32
    %dma_start3A_26 = arith.constant 0 : i32
    %dma_start3A_27 = tpu.memref_slice %arg11[%add3A_25, %dma_start3A_26] : memref<10240x128xf32, #tpu.memory_space<vmem_shared>> -> memref<32x128xf32, #tpu.memory_space<vmem_shared>>
    %dma_start3A_28 = arith.constant 0 : i32
    %dma_start3A_29 = tpu.memref_slice %arg11[%add3A_25, %dma_start3A_28] : memref<10240x128xf32, #tpu.memory_space<vmem_shared>> -> memref<32x128xf32, #tpu.memory_space<vmem_shared>>
    tpu.enqueue_dma source(%arg10 : memref<32x128xf32, #tpu.memory_space<vmem>>) target(%dma_start3A_29 : memref<32x128xf32, #tpu.memory_space<vmem_shared>>) target_semaphore(%arg14 : memref<!tpu.dma_semaphore, #tpu.memory_space<semaphore_mem>>)
    %dma_wait3A = arith.constant 0 : i32
    %dma_wait3A_30 = tpu.memref_slice %arg11[%add3A_19, %dma_wait3A] : memref<10240x128xf32, #tpu.memory_space<vmem_shared>> -> memref<32x128xf32, #tpu.memory_space<vmem_shared>>
    %dma_wait3A_31 = arith.constant 0 : i32
    %dma_wait3A_32 = tpu.memref_slice %arg11[%add3A_19, %dma_wait3A_31] : memref<10240x128xf32, #tpu.memory_space<vmem_shared>> -> memref<32x128xf32, #tpu.memory_space<vmem_shared>>
    tpu.wait_dma2 semaphore(%arg14 : memref<!tpu.dma_semaphore, #tpu.memory_space<semaphore_mem>>) src(%arg10 : memref<32x128xf32, #tpu.memory_space<vmem>>) dst(%dma_wait3A_32 : memref<32x128xf32, #tpu.memory_space<vmem_shared>>)
    %add3A_33 = arith.constant 64 : i32
    %add3A_34 = arith.addi %mul3A_17, %add3A_33 : i32
    %dma_start3A_35 = arith.constant 0 : i32
    %dma_start3A_36 = tpu.memref_slice %arg11[%add3A_34, %dma_start3A_35] : memref<10240x128xf32, #tpu.memory_space<vmem_shared>> -> memref<32x128xf32, #tpu.memory_space<vmem_shared>>
    %dma_start3A_37 = arith.constant 0 : i32
    %dma_start3A_38 = tpu.memref_slice %arg11[%add3A_34, %dma_start3A_37] : memref<10240x128xf32, #tpu.memory_space<vmem_shared>> -> memref<32x128xf32, #tpu.memory_space<vmem_shared>>
    tpu.enqueue_dma source(%arg10 : memref<32x128xf32, #tpu.memory_space<vmem>>) target(%dma_start3A_38 : memref<32x128xf32, #tpu.memory_space<vmem_shared>>) target_semaphore(%arg14 : memref<!tpu.dma_semaphore, #tpu.memory_space<semaphore_mem>>)
    %dma_wait3A_39 = arith.constant 0 : i32
    %dma_wait3A_40 = tpu.memref_slice %arg11[%add3A_25, %dma_wait3A_39] : memref<10240x128xf32, #tpu.memory_space<vmem_shared>> -> memref<32x128xf32, #tpu.memory_space<vmem_shared>>
    %dma_wait3A_41 = arith.constant 0 : i32
    %dma_wait3A_42 = tpu.memref_slice %arg11[%add3A_25, %dma_wait3A_41] : memref<10240x128xf32, #tpu.memory_space<vmem_shared>> -> memref<32x128xf32, #tpu.memory_space<vmem_shared>>
    tpu.wait_dma2 semaphore(%arg14 : memref<!tpu.dma_semaphore, #tpu.memory_space<semaphore_mem>>) src(%arg10 : memref<32x128xf32, #tpu.memory_space<vmem>>) dst(%dma_wait3A_42 : memref<32x128xf32, #tpu.memory_space<vmem_shared>>)
    %add3A_43 = arith.constant 96 : i32
    %add3A_44 = arith.addi %mul3A_17, %add3A_43 : i32
    %dma_start3A_45 = arith.constant 0 : i32
    %dma_start3A_46 = tpu.memref_slice %arg11[%add3A_44, %dma_start3A_45] : memref<10240x128xf32, #tpu.memory_space<vmem_shared>> -> memref<32x128xf32, #tpu.memory_space<vmem_shared>>
    %dma_start3A_47 = arith.constant 0 : i32
    %dma_start3A_48 = tpu.memref_slice %arg11[%add3A_44, %dma_start3A_47] : memref<10240x128xf32, #tpu.memory_space<vmem_shared>> -> memref<32x128xf32, #tpu.memory_space<vmem_shared>>
    tpu.enqueue_dma source(%arg10 : memref<32x128xf32, #tpu.memory_space<vmem>>) target(%dma_start3A_48 : memref<32x128xf32, #tpu.memory_space<vmem_shared>>) target_semaphore(%arg14 : memref<!tpu.dma_semaphore, #tpu.memory_space<semaphore_mem>>)
    %dma_wait3A_49 = arith.constant 0 : i32
    %dma_wait3A_50 = tpu.memref_slice %arg11[%add3A_34, %dma_wait3A_49] : memref<10240x128xf32, #tpu.memory_space<vmem_shared>> -> memref<32x128xf32, #tpu.memory_space<vmem_shared>>
    %dma_wait3A_51 = arith.constant 0 : i32
    %dma_wait3A_52 = tpu.memref_slice %arg11[%add3A_34, %dma_wait3A_51] : memref<10240x128xf32, #tpu.memory_space<vmem_shared>> -> memref<32x128xf32, #tpu.memory_space<vmem_shared>>
    tpu.wait_dma2 semaphore(%arg14 : memref<!tpu.dma_semaphore, #tpu.memory_space<semaphore_mem>>) src(%arg10 : memref<32x128xf32, #tpu.memory_space<vmem>>) dst(%dma_wait3A_52 : memref<32x128xf32, #tpu.memory_space<vmem_shared>>)
    %add3A_53 = arith.constant 128 : i32
    %add3A_54 = arith.addi %mul3A_17, %add3A_53 : i32
    %dma_start3A_55 = arith.constant 0 : i32
    %dma_start3A_56 = tpu.memref_slice %arg11[%add3A_54, %dma_start3A_55] : memref<10240x128xf32, #tpu.memory_space<vmem_shared>> -> memref<32x128xf32, #tpu.memory_space<vmem_shared>>
    %dma_start3A_57 = arith.constant 0 : i32
    %dma_start3A_58 = tpu.memref_slice %arg11[%add3A_54, %dma_start3A_57] : memref<10240x128xf32, #tpu.memory_space<vmem_shared>> -> memref<32x128xf32, #tpu.memory_space<vmem_shared>>
    tpu.enqueue_dma source(%arg10 : memref<32x128xf32, #tpu.memory_space<vmem>>) target(%dma_start3A_58 : memref<32x128xf32, #tpu.memory_space<vmem_shared>>) target_semaphore(%arg14 : memref<!tpu.dma_semaphore, #tpu.memory_space<semaphore_mem>>)
    %dma_wait3A_59 = arith.constant 0 : i32
    %dma_wait3A_60 = tpu.memref_slice %arg11[%add3A_44, %dma_wait3A_59] : memref<10240x128xf32, #tpu.memory_space<vmem_shared>> -> memref<32x128xf32, #tpu.memory_space<vmem_shared>>
    %dma_wait3A_61 = arith.constant 0 : i32
    %dma_wait3A_62 = tpu.memref_slice %arg11[%add3A_44, %dma_wait3A_61] : memref<10240x128xf32, #tpu.memory_space<vmem_shared>> -> memref<32x128xf32, #tpu.memory_space<vmem_shared>>
    tpu.wait_dma2 semaphore(%arg14 : memref<!tpu.dma_semaphore, #tpu.memory_space<semaphore_mem>>) src(%arg10 : memref<32x128xf32, #tpu.memory_space<vmem>>) dst(%dma_wait3A_62 : memref<32x128xf32, #tpu.memory_space<vmem_shared>>)
    %add3A_63 = arith.constant 160 : i32
    %add3A_64 = arith.addi %mul3A_17, %add3A_63 : i32
    %dma_start3A_65 = arith.constant 0 : i32
    %dma_start3A_66 = tpu.memref_slice %arg11[%add3A_64, %dma_start3A_65] : memref<10240x128xf32, #tpu.memory_space<vmem_shared>> -> memref<32x128xf32, #tpu.memory_space<vmem_shared>>
    %dma_start3A_67 = arith.constant 0 : i32
    %dma_start3A_68 = tpu.memref_slice %arg11[%add3A_64, %dma_start3A_67] : memref<10240x128xf32, #tpu.memory_space<vmem_shared>> -> memref<32x128xf32, #tpu.memory_space<vmem_shared>>
    tpu.enqueue_dma source(%arg10 : memref<32x128xf32, #tpu.memory_space<vmem>>) target(%dma_start3A_68 : memref<32x128xf32, #tpu.memory_space<vmem_shared>>) target_semaphore(%arg14 : memref<!tpu.dma_semaphore, #tpu.memory_space<semaphore_mem>>)
    %dma_wait3A_69 = arith.constant 0 : i32
    %dma_wait3A_70 = tpu.memref_slice %arg11[%add3A_54, %dma_wait3A_69] : memref<10240x128xf32, #tpu.memory_space<vmem_shared>> -> memref<32x128xf32, #tpu.memory_space<vmem_shared>>
    %dma_wait3A_71 = arith.constant 0 : i32
    %dma_wait3A_72 = tpu.memref_slice %arg11[%add3A_54, %dma_wait3A_71] : memref<10240x128xf32, #tpu.memory_space<vmem_shared>> -> memref<32x128xf32, #tpu.memory_space<vmem_shared>>
    tpu.wait_dma2 semaphore(%arg14 : memref<!tpu.dma_semaphore, #tpu.memory_space<semaphore_mem>>) src(%arg10 : memref<32x128xf32, #tpu.memory_space<vmem>>) dst(%dma_wait3A_72 : memref<32x128xf32, #tpu.memory_space<vmem_shared>>)
    %add3A_73 = arith.constant 192 : i32
    %add3A_74 = arith.addi %mul3A_17, %add3A_73 : i32
    %dma_start3A_75 = arith.constant 0 : i32
    %dma_start3A_76 = tpu.memref_slice %arg11[%add3A_74, %dma_start3A_75] : memref<10240x128xf32, #tpu.memory_space<vmem_shared>> -> memref<32x128xf32, #tpu.memory_space<vmem_shared>>
    %dma_start3A_77 = arith.constant 0 : i32
    %dma_start3A_78 = tpu.memref_slice %arg11[%add3A_74, %dma_start3A_77] : memref<10240x128xf32, #tpu.memory_space<vmem_shared>> -> memref<32x128xf32, #tpu.memory_space<vmem_shared>>
    tpu.enqueue_dma source(%arg10 : memref<32x128xf32, #tpu.memory_space<vmem>>) target(%dma_start3A_78 : memref<32x128xf32, #tpu.memory_space<vmem_shared>>) target_semaphore(%arg14 : memref<!tpu.dma_semaphore, #tpu.memory_space<semaphore_mem>>)
    %dma_wait3A_79 = arith.constant 0 : i32
    %dma_wait3A_80 = tpu.memref_slice %arg11[%add3A_64, %dma_wait3A_79] : memref<10240x128xf32, #tpu.memory_space<vmem_shared>> -> memref<32x128xf32, #tpu.memory_space<vmem_shared>>
    %dma_wait3A_81 = arith.constant 0 : i32
    %dma_wait3A_82 = tpu.memref_slice %arg11[%add3A_64, %dma_wait3A_81] : memref<10240x128xf32, #tpu.memory_space<vmem_shared>> -> memref<32x128xf32, #tpu.memory_space<vmem_shared>>
    tpu.wait_dma2 semaphore(%arg14 : memref<!tpu.dma_semaphore, #tpu.memory_space<semaphore_mem>>) src(%arg10 : memref<32x128xf32, #tpu.memory_space<vmem>>) dst(%dma_wait3A_82 : memref<32x128xf32, #tpu.memory_space<vmem_shared>>)
    %add3A_83 = arith.constant 224 : i32
    %add3A_84 = arith.addi %mul3A_17, %add3A_83 : i32
    %dma_start3A_85 = arith.constant 0 : i32
    %dma_start3A_86 = tpu.memref_slice %arg11[%add3A_84, %dma_start3A_85] : memref<10240x128xf32, #tpu.memory_space<vmem_shared>> -> memref<32x128xf32, #tpu.memory_space<vmem_shared>>
    %dma_start3A_87 = arith.constant 0 : i32
    %dma_start3A_88 = tpu.memref_slice %arg11[%add3A_84, %dma_start3A_87] : memref<10240x128xf32, #tpu.memory_space<vmem_shared>> -> memref<32x128xf32, #tpu.memory_space<vmem_shared>>
    tpu.enqueue_dma source(%arg10 : memref<32x128xf32, #tpu.memory_space<vmem>>) target(%dma_start3A_88 : memref<32x128xf32, #tpu.memory_space<vmem_shared>>) target_semaphore(%arg14 : memref<!tpu.dma_semaphore, #tpu.memory_space<semaphore_mem>>)
    %dma_wait3A_89 = arith.constant 0 : i32
    %dma_wait3A_90 = tpu.memref_slice %arg11[%add3A_74, %dma_wait3A_89] : memref<10240x128xf32, #tpu.memory_space<vmem_shared>> -> memref<32x128xf32, #tpu.memory_space<vmem_shared>>
    %dma_wait3A_91 = arith.constant 0 : i32
    %dma_wait3A_92 = tpu.memref_slice %arg11[%add3A_74, %dma_wait3A_91] : memref<10240x128xf32, #tpu.memory_space<vmem_shared>> -> memref<32x128xf32, #tpu.memory_space<vmem_shared>>
    tpu.wait_dma2 semaphore(%arg14 : memref<!tpu.dma_semaphore, #tpu.memory_space<semaphore_mem>>) src(%arg10 : memref<32x128xf32, #tpu.memory_space<vmem>>) dst(%dma_wait3A_92 : memref<32x128xf32, #tpu.memory_space<vmem_shared>>)
    %add3A_93 = arith.constant 256 : i32
    %add3A_94 = arith.addi %mul3A_17, %add3A_93 : i32
    %dma_start3A_95 = arith.constant 0 : i32
    %dma_start3A_96 = tpu.memref_slice %arg11[%add3A_94, %dma_start3A_95] : memref<10240x128xf32, #tpu.memory_space<vmem_shared>> -> memref<32x128xf32, #tpu.memory_space<vmem_shared>>
    %dma_start3A_97 = arith.constant 0 : i32
    %dma_start3A_98 = tpu.memref_slice %arg11[%add3A_94, %dma_start3A_97] : memref<10240x128xf32, #tpu.memory_space<vmem_shared>> -> memref<32x128xf32, #tpu.memory_space<vmem_shared>>
    tpu.enqueue_dma source(%arg10 : memref<32x128xf32, #tpu.memory_space<vmem>>) target(%dma_start3A_98 : memref<32x128xf32, #tpu.memory_space<vmem_shared>>) target_semaphore(%arg14 : memref<!tpu.dma_semaphore, #tpu.memory_space<semaphore_mem>>)
    %dma_wait3A_99 = arith.constant 0 : i32
    %dma_wait3A_100 = tpu.memref_slice %arg11[%add3A_84, %dma_wait3A_99] : memref<10240x128xf32, #tpu.memory_space<vmem_shared>> -> memref<32x128xf32, #tpu.memory_space<vmem_shared>>
    %dma_wait3A_101 = arith.constant 0 : i32
    %dma_wait3A_102 = tpu.memref_slice %arg11[%add3A_84, %dma_wait3A_101] : memref<10240x128xf32, #tpu.memory_space<vmem_shared>> -> memref<32x128xf32, #tpu.memory_space<vmem_shared>>
    tpu.wait_dma2 semaphore(%arg14 : memref<!tpu.dma_semaphore, #tpu.memory_space<semaphore_mem>>) src(%arg10 : memref<32x128xf32, #tpu.memory_space<vmem>>) dst(%dma_wait3A_102 : memref<32x128xf32, #tpu.memory_space<vmem_shared>>)
    %add3A_103 = arith.constant 288 : i32
    %add3A_104 = arith.addi %mul3A_17, %add3A_103 : i32
    %dma_start3A_105 = arith.constant 0 : i32
    %dma_start3A_106 = tpu.memref_slice %arg11[%add3A_104, %dma_start3A_105] : memref<10240x128xf32, #tpu.memory_space<vmem_shared>> -> memref<32x128xf32, #tpu.memory_space<vmem_shared>>
    %dma_start3A_107 = arith.constant 0 : i32
    %dma_start3A_108 = tpu.memref_slice %arg11[%add3A_104, %dma_start3A_107] : memref<10240x128xf32, #tpu.memory_space<vmem_shared>> -> memref<32x128xf32, #tpu.memory_space<vmem_shared>>
    tpu.enqueue_dma source(%arg10 : memref<32x128xf32, #tpu.memory_space<vmem>>) target(%dma_start3A_108 : memref<32x128xf32, #tpu.memory_space<vmem_shared>>) target_semaphore(%arg14 : memref<!tpu.dma_semaphore, #tpu.memory_space<semaphore_mem>>)
    %dma_wait3A_109 = arith.constant 0 : i32
    %dma_wait3A_110 = tpu.memref_slice %arg11[%add3A_94, %dma_wait3A_109] : memref<10240x128xf32, #tpu.memory_space<vmem_shared>> -> memref<32x128xf32, #tpu.memory_space<vmem_shared>>
    %dma_wait3A_111 = arith.constant 0 : i32
    %dma_wait3A_112 = tpu.memref_slice %arg11[%add3A_94, %dma_wait3A_111] : memref<10240x128xf32, #tpu.memory_space<vmem_shared>> -> memref<32x128xf32, #tpu.memory_space<vmem_shared>>
    tpu.wait_dma2 semaphore(%arg14 : memref<!tpu.dma_semaphore, #tpu.memory_space<semaphore_mem>>) src(%arg10 : memref<32x128xf32, #tpu.memory_space<vmem>>) dst(%dma_wait3A_112 : memref<32x128xf32, #tpu.memory_space<vmem_shared>>)
    %add3A_113 = arith.constant 320 : i32
    %add3A_114 = arith.addi %mul3A_17, %add3A_113 : i32
    %dma_start3A_115 = arith.constant 0 : i32
    %dma_start3A_116 = tpu.memref_slice %arg11[%add3A_114, %dma_start3A_115] : memref<10240x128xf32, #tpu.memory_space<vmem_shared>> -> memref<32x128xf32, #tpu.memory_space<vmem_shared>>
    %dma_start3A_117 = arith.constant 0 : i32
    %dma_start3A_118 = tpu.memref_slice %arg11[%add3A_114, %dma_start3A_117] : memref<10240x128xf32, #tpu.memory_space<vmem_shared>> -> memref<32x128xf32, #tpu.memory_space<vmem_shared>>
    tpu.enqueue_dma source(%arg10 : memref<32x128xf32, #tpu.memory_space<vmem>>) target(%dma_start3A_118 : memref<32x128xf32, #tpu.memory_space<vmem_shared>>) target_semaphore(%arg14 : memref<!tpu.dma_semaphore, #tpu.memory_space<semaphore_mem>>)
    %dma_wait3A_119 = arith.constant 0 : i32
    %dma_wait3A_120 = tpu.memref_slice %arg11[%add3A_104, %dma_wait3A_119] : memref<10240x128xf32, #tpu.memory_space<vmem_shared>> -> memref<32x128xf32, #tpu.memory_space<vmem_shared>>
    %dma_wait3A_121 = arith.constant 0 : i32
    %dma_wait3A_122 = tpu.memref_slice %arg11[%add3A_104, %dma_wait3A_121] : memref<10240x128xf32, #tpu.memory_space<vmem_shared>> -> memref<32x128xf32, #tpu.memory_space<vmem_shared>>
    tpu.wait_dma2 semaphore(%arg14 : memref<!tpu.dma_semaphore, #tpu.memory_space<semaphore_mem>>) src(%arg10 : memref<32x128xf32, #tpu.memory_space<vmem>>) dst(%dma_wait3A_122 : memref<32x128xf32, #tpu.memory_space<vmem_shared>>)
    %add3A_123 = arith.constant 352 : i32
    %add3A_124 = arith.addi %mul3A_17, %add3A_123 : i32
    %dma_start3A_125 = arith.constant 0 : i32
    %dma_start3A_126 = tpu.memref_slice %arg11[%add3A_124, %dma_start3A_125] : memref<10240x128xf32, #tpu.memory_space<vmem_shared>> -> memref<32x128xf32, #tpu.memory_space<vmem_shared>>
    %dma_start3A_127 = arith.constant 0 : i32
    %dma_start3A_128 = tpu.memref_slice %arg11[%add3A_124, %dma_start3A_127] : memref<10240x128xf32, #tpu.memory_space<vmem_shared>> -> memref<32x128xf32, #tpu.memory_space<vmem_shared>>
    tpu.enqueue_dma source(%arg10 : memref<32x128xf32, #tpu.memory_space<vmem>>) target(%dma_start3A_128 : memref<32x128xf32, #tpu.memory_space<vmem_shared>>) target_semaphore(%arg14 : memref<!tpu.dma_semaphore, #tpu.memory_space<semaphore_mem>>)
    %dma_wait3A_129 = arith.constant 0 : i32
    %dma_wait3A_130 = tpu.memref_slice %arg11[%add3A_114, %dma_wait3A_129] : memref<10240x128xf32, #tpu.memory_space<vmem_shared>> -> memref<32x128xf32, #tpu.memory_space<vmem_shared>>
    %dma_wait3A_131 = arith.constant 0 : i32
    %dma_wait3A_132 = tpu.memref_slice %arg11[%add3A_114, %dma_wait3A_131] : memref<10240x128xf32, #tpu.memory_space<vmem_shared>> -> memref<32x128xf32, #tpu.memory_space<vmem_shared>>
    tpu.wait_dma2 semaphore(%arg14 : memref<!tpu.dma_semaphore, #tpu.memory_space<semaphore_mem>>) src(%arg10 : memref<32x128xf32, #tpu.memory_space<vmem>>) dst(%dma_wait3A_132 : memref<32x128xf32, #tpu.memory_space<vmem_shared>>)
    %add3A_133 = arith.constant 384 : i32
    %add3A_134 = arith.addi %mul3A_17, %add3A_133 : i32
    %dma_start3A_135 = arith.constant 0 : i32
    %dma_start3A_136 = tpu.memref_slice %arg11[%add3A_134, %dma_start3A_135] : memref<10240x128xf32, #tpu.memory_space<vmem_shared>> -> memref<32x128xf32, #tpu.memory_space<vmem_shared>>
    %dma_start3A_137 = arith.constant 0 : i32
    %dma_start3A_138 = tpu.memref_slice %arg11[%add3A_134, %dma_start3A_137] : memref<10240x128xf32, #tpu.memory_space<vmem_shared>> -> memref<32x128xf32, #tpu.memory_space<vmem_shared>>
    tpu.enqueue_dma source(%arg10 : memref<32x128xf32, #tpu.memory_space<vmem>>) target(%dma_start3A_138 : memref<32x128xf32, #tpu.memory_space<vmem_shared>>) target_semaphore(%arg14 : memref<!tpu.dma_semaphore, #tpu.memory_space<semaphore_mem>>)
    %dma_wait3A_139 = arith.constant 0 : i32
    %dma_wait3A_140 = tpu.memref_slice %arg11[%add3A_124, %dma_wait3A_139] : memref<10240x128xf32, #tpu.memory_space<vmem_shared>> -> memref<32x128xf32, #tpu.memory_space<vmem_shared>>
    %dma_wait3A_141 = arith.constant 0 : i32
    %dma_wait3A_142 = tpu.memref_slice %arg11[%add3A_124, %dma_wait3A_141] : memref<10240x128xf32, #tpu.memory_space<vmem_shared>> -> memref<32x128xf32, #tpu.memory_space<vmem_shared>>
    tpu.wait_dma2 semaphore(%arg14 : memref<!tpu.dma_semaphore, #tpu.memory_space<semaphore_mem>>) src(%arg10 : memref<32x128xf32, #tpu.memory_space<vmem>>) dst(%dma_wait3A_142 : memref<32x128xf32, #tpu.memory_space<vmem_shared>>)
    %add3A_143 = arith.constant 416 : i32
    %add3A_144 = arith.addi %mul3A_17, %add3A_143 : i32
    %dma_start3A_145 = arith.constant 0 : i32
    %dma_start3A_146 = tpu.memref_slice %arg11[%add3A_144, %dma_start3A_145] : memref<10240x128xf32, #tpu.memory_space<vmem_shared>> -> memref<32x128xf32, #tpu.memory_space<vmem_shared>>
    %dma_start3A_147 = arith.constant 0 : i32
    %dma_start3A_148 = tpu.memref_slice %arg11[%add3A_144, %dma_start3A_147] : memref<10240x128xf32, #tpu.memory_space<vmem_shared>> -> memref<32x128xf32, #tpu.memory_space<vmem_shared>>
    tpu.enqueue_dma source(%arg10 : memref<32x128xf32, #tpu.memory_space<vmem>>) target(%dma_start3A_148 : memref<32x128xf32, #tpu.memory_space<vmem_shared>>) target_semaphore(%arg14 : memref<!tpu.dma_semaphore, #tpu.memory_space<semaphore_mem>>)
    %dma_wait3A_149 = arith.constant 0 : i32
    %dma_wait3A_150 = tpu.memref_slice %arg11[%add3A_134, %dma_wait3A_149] : memref<10240x128xf32, #tpu.memory_space<vmem_shared>> -> memref<32x128xf32, #tpu.memory_space<vmem_shared>>
    %dma_wait3A_151 = arith.constant 0 : i32
    %dma_wait3A_152 = tpu.memref_slice %arg11[%add3A_134, %dma_wait3A_151] : memref<10240x128xf32, #tpu.memory_space<vmem_shared>> -> memref<32x128xf32, #tpu.memory_space<vmem_shared>>
    tpu.wait_dma2 semaphore(%arg14 : memref<!tpu.dma_semaphore, #tpu.memory_space<semaphore_mem>>) src(%arg10 : memref<32x128xf32, #tpu.memory_space<vmem>>) dst(%dma_wait3A_152 : memref<32x128xf32, #tpu.memory_space<vmem_shared>>)
    %add3A_153 = arith.constant 448 : i32
    %add3A_154 = arith.addi %mul3A_17, %add3A_153 : i32
    %dma_start3A_155 = arith.constant 0 : i32
    %dma_start3A_156 = tpu.memref_slice %arg11[%add3A_154, %dma_start3A_155] : memref<10240x128xf32, #tpu.memory_space<vmem_shared>> -> memref<32x128xf32, #tpu.memory_space<vmem_shared>>
    %dma_start3A_157 = arith.constant 0 : i32
    %dma_start3A_158 = tpu.memref_slice %arg11[%add3A_154, %dma_start3A_157] : memref<10240x128xf32, #tpu.memory_space<vmem_shared>> -> memref<32x128xf32, #tpu.memory_space<vmem_shared>>
    tpu.enqueue_dma source(%arg10 : memref<32x128xf32, #tpu.memory_space<vmem>>) target(%dma_start3A_158 : memref<32x128xf32, #tpu.memory_space<vmem_shared>>) target_semaphore(%arg14 : memref<!tpu.dma_semaphore, #tpu.memory_space<semaphore_mem>>)
    %dma_wait3A_159 = arith.constant 0 : i32
    %dma_wait3A_160 = tpu.memref_slice %arg11[%add3A_144, %dma_wait3A_159] : memref<10240x128xf32, #tpu.memory_space<vmem_shared>> -> memref<32x128xf32, #tpu.memory_space<vmem_shared>>
    %dma_wait3A_161 = arith.constant 0 : i32
    %dma_wait3A_162 = tpu.memref_slice %arg11[%add3A_144, %dma_wait3A_161] : memref<10240x128xf32, #tpu.memory_space<vmem_shared>> -> memref<32x128xf32, #tpu.memory_space<vmem_shared>>
    tpu.wait_dma2 semaphore(%arg14 : memref<!tpu.dma_semaphore, #tpu.memory_space<semaphore_mem>>) src(%arg10 : memref<32x128xf32, #tpu.memory_space<vmem>>) dst(%dma_wait3A_162 : memref<32x128xf32, #tpu.memory_space<vmem_shared>>)
    %add3A_163 = arith.constant 480 : i32
    %add3A_164 = arith.addi %mul3A_17, %add3A_163 : i32
    %dma_start3A_165 = arith.constant 0 : i32
    %dma_start3A_166 = tpu.memref_slice %arg11[%add3A_164, %dma_start3A_165] : memref<10240x128xf32, #tpu.memory_space<vmem_shared>> -> memref<32x128xf32, #tpu.memory_space<vmem_shared>>
    %dma_start3A_167 = arith.constant 0 : i32
    %dma_start3A_168 = tpu.memref_slice %arg11[%add3A_164, %dma_start3A_167] : memref<10240x128xf32, #tpu.memory_space<vmem_shared>> -> memref<32x128xf32, #tpu.memory_space<vmem_shared>>
    tpu.enqueue_dma source(%arg10 : memref<32x128xf32, #tpu.memory_space<vmem>>) target(%dma_start3A_168 : memref<32x128xf32, #tpu.memory_space<vmem_shared>>) target_semaphore(%arg14 : memref<!tpu.dma_semaphore, #tpu.memory_space<semaphore_mem>>)
    %dma_wait3A_169 = arith.constant 0 : i32
    %dma_wait3A_170 = tpu.memref_slice %arg11[%add3A_154, %dma_wait3A_169] : memref<10240x128xf32, #tpu.memory_space<vmem_shared>> -> memref<32x128xf32, #tpu.memory_space<vmem_shared>>
    %dma_wait3A_171 = arith.constant 0 : i32
    %dma_wait3A_172 = tpu.memref_slice %arg11[%add3A_154, %dma_wait3A_171] : memref<10240x128xf32, #tpu.memory_space<vmem_shared>> -> memref<32x128xf32, #tpu.memory_space<vmem_shared>>
    tpu.wait_dma2 semaphore(%arg14 : memref<!tpu.dma_semaphore, #tpu.memory_space<semaphore_mem>>) src(%arg10 : memref<32x128xf32, #tpu.memory_space<vmem>>) dst(%dma_wait3A_172 : memref<32x128xf32, #tpu.memory_space<vmem_shared>>)
    %add3A_173 = arith.constant 512 : i32
    %add3A_174 = arith.addi %mul3A_17, %add3A_173 : i32
    %dma_start3A_175 = arith.constant 0 : i32
    %dma_start3A_176 = tpu.memref_slice %arg11[%add3A_174, %dma_start3A_175] : memref<10240x128xf32, #tpu.memory_space<vmem_shared>> -> memref<32x128xf32, #tpu.memory_space<vmem_shared>>
    %dma_start3A_177 = arith.constant 0 : i32
    %dma_start3A_178 = tpu.memref_slice %arg11[%add3A_174, %dma_start3A_177] : memref<10240x128xf32, #tpu.memory_space<vmem_shared>> -> memref<32x128xf32, #tpu.memory_space<vmem_shared>>
    tpu.enqueue_dma source(%arg10 : memref<32x128xf32, #tpu.memory_space<vmem>>) target(%dma_start3A_178 : memref<32x128xf32, #tpu.memory_space<vmem_shared>>) target_semaphore(%arg14 : memref<!tpu.dma_semaphore, #tpu.memory_space<semaphore_mem>>)
    %dma_wait3A_179 = arith.constant 0 : i32
    %dma_wait3A_180 = tpu.memref_slice %arg11[%add3A_164, %dma_wait3A_179] : memref<10240x128xf32, #tpu.memory_space<vmem_shared>> -> memref<32x128xf32, #tpu.memory_space<vmem_shared>>
    %dma_wait3A_181 = arith.constant 0 : i32
    %dma_wait3A_182 = tpu.memref_slice %arg11[%add3A_164, %dma_wait3A_181] : memref<10240x128xf32, #tpu.memory_space<vmem_shared>> -> memref<32x128xf32, #tpu.memory_space<vmem_shared>>
    tpu.wait_dma2 semaphore(%arg14 : memref<!tpu.dma_semaphore, #tpu.memory_space<semaphore_mem>>) src(%arg10 : memref<32x128xf32, #tpu.memory_space<vmem>>) dst(%dma_wait3A_182 : memref<32x128xf32, #tpu.memory_space<vmem_shared>>)
    %add3A_183 = arith.constant 544 : i32
    %add3A_184 = arith.addi %mul3A_17, %add3A_183 : i32
    %dma_start3A_185 = arith.constant 0 : i32
    %dma_start3A_186 = tpu.memref_slice %arg11[%add3A_184, %dma_start3A_185] : memref<10240x128xf32, #tpu.memory_space<vmem_shared>> -> memref<32x128xf32, #tpu.memory_space<vmem_shared>>
    %dma_start3A_187 = arith.constant 0 : i32
    %dma_start3A_188 = tpu.memref_slice %arg11[%add3A_184, %dma_start3A_187] : memref<10240x128xf32, #tpu.memory_space<vmem_shared>> -> memref<32x128xf32, #tpu.memory_space<vmem_shared>>
    tpu.enqueue_dma source(%arg10 : memref<32x128xf32, #tpu.memory_space<vmem>>) target(%dma_start3A_188 : memref<32x128xf32, #tpu.memory_space<vmem_shared>>) target_semaphore(%arg14 : memref<!tpu.dma_semaphore, #tpu.memory_space<semaphore_mem>>)
    %dma_wait3A_189 = arith.constant 0 : i32
    %dma_wait3A_190 = tpu.memref_slice %arg11[%add3A_174, %dma_wait3A_189] : memref<10240x128xf32, #tpu.memory_space<vmem_shared>> -> memref<32x128xf32, #tpu.memory_space<vmem_shared>>
    %dma_wait3A_191 = arith.constant 0 : i32
    %dma_wait3A_192 = tpu.memref_slice %arg11[%add3A_174, %dma_wait3A_191] : memref<10240x128xf32, #tpu.memory_space<vmem_shared>> -> memref<32x128xf32, #tpu.memory_space<vmem_shared>>
    tpu.wait_dma2 semaphore(%arg14 : memref<!tpu.dma_semaphore, #tpu.memory_space<semaphore_mem>>) src(%arg10 : memref<32x128xf32, #tpu.memory_space<vmem>>) dst(%dma_wait3A_192 : memref<32x128xf32, #tpu.memory_space<vmem_shared>>)
    %add3A_193 = arith.constant 576 : i32
    %add3A_194 = arith.addi %mul3A_17, %add3A_193 : i32
    %dma_start3A_195 = arith.constant 0 : i32
    %dma_start3A_196 = tpu.memref_slice %arg11[%add3A_194, %dma_start3A_195] : memref<10240x128xf32, #tpu.memory_space<vmem_shared>> -> memref<32x128xf32, #tpu.memory_space<vmem_shared>>
    %dma_start3A_197 = arith.constant 0 : i32
    %dma_start3A_198 = tpu.memref_slice %arg11[%add3A_194, %dma_start3A_197] : memref<10240x128xf32, #tpu.memory_space<vmem_shared>> -> memref<32x128xf32, #tpu.memory_space<vmem_shared>>
    tpu.enqueue_dma source(%arg10 : memref<32x128xf32, #tpu.memory_space<vmem>>) target(%dma_start3A_198 : memref<32x128xf32, #tpu.memory_space<vmem_shared>>) target_semaphore(%arg14 : memref<!tpu.dma_semaphore, #tpu.memory_space<semaphore_mem>>)
    %dma_wait3A_199 = arith.constant 0 : i32
    %dma_wait3A_200 = tpu.memref_slice %arg11[%add3A_184, %dma_wait3A_199] : memref<10240x128xf32, #tpu.memory_space<vmem_shared>> -> memref<32x128xf32, #tpu.memory_space<vmem_shared>>
    %dma_wait3A_201 = arith.constant 0 : i32
    %dma_wait3A_202 = tpu.memref_slice %arg11[%add3A_184, %dma_wait3A_201] : memref<10240x128xf32, #tpu.memory_space<vmem_shared>> -> memref<32x128xf32, #tpu.memory_space<vmem_shared>>
    tpu.wait_dma2 semaphore(%arg14 : memref<!tpu.dma_semaphore, #tpu.memory_space<semaphore_mem>>) src(%arg10 : memref<32x128xf32, #tpu.memory_space<vmem>>) dst(%dma_wait3A_202 : memref<32x128xf32, #tpu.memory_space<vmem_shared>>)
    %add3A_203 = arith.constant 608 : i32
    %add3A_204 = arith.addi %mul3A_17, %add3A_203 : i32
    %dma_start3A_205 = arith.constant 0 : i32
    %dma_start3A_206 = tpu.memref_slice %arg11[%add3A_204, %dma_start3A_205] : memref<10240x128xf32, #tpu.memory_space<vmem_shared>> -> memref<32x128xf32, #tpu.memory_space<vmem_shared>>
    %dma_start3A_207 = arith.constant 0 : i32
    %dma_start3A_208 = tpu.memref_slice %arg11[%add3A_204, %dma_start3A_207] : memref<10240x128xf32, #tpu.memory_space<vmem_shared>> -> memref<32x128xf32, #tpu.memory_space<vmem_shared>>
    tpu.enqueue_dma source(%arg10 : memref<32x128xf32, #tpu.memory_space<vmem>>) target(%dma_start3A_208 : memref<32x128xf32, #tpu.memory_space<vmem_shared>>) target_semaphore(%arg14 : memref<!tpu.dma_semaphore, #tpu.memory_space<semaphore_mem>>)
    %dma_wait3A_209 = arith.constant 0 : i32
    %dma_wait3A_210 = tpu.memref_slice %arg11[%add3A_194, %dma_wait3A_209] : memref<10240x128xf32, #tpu.memory_space<vmem_shared>> -> memref<32x128xf32, #tpu.memory_space<vmem_shared>>
    %dma_wait3A_211 = arith.constant 0 : i32
    %dma_wait3A_212 = tpu.memref_slice %arg11[%add3A_194, %dma_wait3A_211] : memref<10240x128xf32, #tpu.memory_space<vmem_shared>> -> memref<32x128xf32, #tpu.memory_space<vmem_shared>>
    tpu.wait_dma2 semaphore(%arg14 : memref<!tpu.dma_semaphore, #tpu.memory_space<semaphore_mem>>) src(%arg10 : memref<32x128xf32, #tpu.memory_space<vmem>>) dst(%dma_wait3A_212 : memref<32x128xf32, #tpu.memory_space<vmem_shared>>)
    %dma_wait3A_213 = arith.constant 0 : i32
    %dma_wait3A_214 = tpu.memref_slice %arg11[%add3A_204, %dma_wait3A_213] : memref<10240x128xf32, #tpu.memory_space<vmem_shared>> -> memref<32x128xf32, #tpu.memory_space<vmem_shared>>
    %dma_wait3A_215 = arith.constant 0 : i32
    %dma_wait3A_216 = tpu.memref_slice %arg11[%add3A_204, %dma_wait3A_215] : memref<10240x128xf32, #tpu.memory_space<vmem_shared>> -> memref<32x128xf32, #tpu.memory_space<vmem_shared>>
    tpu.wait_dma2 semaphore(%arg14 : memref<!tpu.dma_semaphore, #tpu.memory_space<semaphore_mem>>) src(%arg10 : memref<32x128xf32, #tpu.memory_space<vmem>>) dst(%dma_wait3A_216 : memref<32x128xf32, #tpu.memory_space<vmem_shared>>)
    %dma_wait3A_217 = tpu.memref_slice %arg3[%mul3A_2] : memref<320000xi32, #tpu.memory_space<hbm>> -> memref<10000xi32, #tpu.memory_space<hbm>>
    %dma_wait3A_218 = tpu.memref_slice %arg3[%mul3A_2] : memref<320000xi32, #tpu.memory_space<hbm>> -> memref<10000xi32, #tpu.memory_space<hbm>>
    tpu.wait_dma2 semaphore(%arg12 : memref<!tpu.dma_semaphore, #tpu.memory_space<semaphore_mem>>) src(%dma_wait3A_218 : memref<10000xi32, #tpu.memory_space<hbm>>) dst(%arg6 : memref<10000xi32, #tpu.memory_space<vmem>>)
    %dma_wait3A_219 = arith.constant 0 : i32
    %dma_wait3A_220 = arith.constant 0 : i32
    %dma_wait3A_221 = tpu.memref_slice %arg4[%add3A, %dma_wait3A_219, %dma_wait3A_220] : memref<32x125x80xi32, #tpu.memory_space<hbm>> -> memref<1x125x80xi32, #tpu.memory_space<hbm>>
    %dma_wait3A_222 = tpu.memref_squeeze %dma_wait3A_221 : memref<1x125x80xi32, #tpu.memory_space<hbm>> -> memref<125x80xi32, #tpu.memory_space<hbm>>
    %dma_wait3A_223 = arith.constant 0 : i32
    %dma_wait3A_224 = arith.constant 0 : i32
    %dma_wait3A_225 = tpu.memref_slice %arg4[%add3A, %dma_wait3A_223, %dma_wait3A_224] : memref<32x125x80xi32, #tpu.memory_space<hbm>> -> memref<1x125x80xi32, #tpu.memory_space<hbm>>
    %dma_wait3A_226 = tpu.memref_squeeze %dma_wait3A_225 : memref<1x125x80xi32, #tpu.memory_space<hbm>> -> memref<125x80xi32, #tpu.memory_space<hbm>>
    tpu.wait_dma2 semaphore(%arg13 : memref<!tpu.dma_semaphore, #tpu.memory_space<semaphore_mem>>) src(%dma_wait3A_226 : memref<125x80xi32, #tpu.memory_space<hbm>>) dst(%arg7 : memref<125x80xi32, #tpu.memory_space<vmem>>)
    %barrier3A = arith.constant 0 : index
    tpu.barrier barrier_id(%barrier3A)
    %dma_start3A_227 = arith.constant 0 : i32
    %dma_start3A_228 = tpu.memref_slice %arg6[%dma_start3A_227] : memref<10000xi32, #tpu.memory_space<vmem>> -> memref<80xi32, #tpu.memory_space<vmem>>
    %dma_start3A_229 = arith.constant 0 : i32
    %dma_start3A_230 = arith.constant 0 : i32
    %dma_start3A_231 = tpu.memref_slice %arg2[%dma_start3A_229, %dma_start3A_230] : memref<10000x128xf32, #tpu.memory_space<hbm>> -> memref<10000x128xf32, #tpu.memory_space<hbm>>
    tpu.enqueue_indirect_dma source(%dma_start3A_231 : memref<10000x128xf32, #tpu.memory_space<hbm>>) target(%arg8 : memref<80x128xf32, #tpu.memory_space<vmem>>) offsets(%dma_start3A_228 : memref<80xi32, #tpu.memory_space<vmem>>) semaphore(%arg12 : memref<!tpu.dma_semaphore, #tpu.memory_space<semaphore_mem>>)
    %scan3A_232 = arith.constant 0 : i32
    %scan3A_233 = arith.constant 62 : i32
    %scan3A_234 = arith.addi %scan3A_232, %scan3A_233 : i32
    %scan3A_235 = arith.constant 1 : i32
    scf.for %scan3A_243 = %scan3A_232 to %scan3A_234 step %scan3A_235  : i32 {
      %mul3A_244 = arith.constant 1 : i32
      %mul3A_245 = arith.muli %scan3A_243, %mul3A_244 : i32
      %add3A_246 = arith.constant 0 : i32
      %add3A_247 = arith.addi %add3A_246, %mul3A_245 : i32
      %mul3A_248 = arith.constant 2 : i32
      %mul3A_249 = arith.muli %add3A_247, %mul3A_248 : i32
      %add3A_250 = arith.constant 1 : i32
      %add3A_251 = arith.addi %mul3A_249, %add3A_250 : i32
      %mul3A_252 = arith.constant 80 : i32
      %mul3A_253 = arith.muli %add3A_251, %mul3A_252 : i32
      %dma_start3A_254 = tpu.memref_slice %arg6[%mul3A_253] : memref<10000xi32, #tpu.memory_space<vmem>> -> memref<80xi32, #tpu.memory_space<vmem>>
      %dma_start3A_255 = arith.constant 0 : i32
      %dma_start3A_256 = arith.constant 0 : i32
      %dma_start3A_257 = tpu.memref_slice %arg2[%dma_start3A_255, %dma_start3A_256] : memref<10000x128xf32, #tpu.memory_space<hbm>> -> memref<10000x128xf32, #tpu.memory_space<hbm>>
      tpu.enqueue_indirect_dma source(%dma_start3A_257 : memref<10000x128xf32, #tpu.memory_space<hbm>>) target(%arg9 : memref<80x128xf32, #tpu.memory_space<vmem>>) offsets(%dma_start3A_254 : memref<80xi32, #tpu.memory_space<vmem>>) semaphore(%arg13 : memref<!tpu.dma_semaphore, #tpu.memory_space<semaphore_mem>>)
      %mul3A_258 = arith.constant 80 : i32
      %mul3A_259 = arith.muli %mul3A_249, %mul3A_258 : i32
      %dma_wait3A_260 = tpu.memref_slice %arg6[%mul3A_259] : memref<10000xi32, #tpu.memory_space<vmem>> -> memref<80xi32, #tpu.memory_space<vmem>>
      %dma_wait3A_261 = arith.constant 0 : i32
      %dma_wait3A_262 = arith.constant 0 : i32
      %dma_wait3A_263 = tpu.memref_slice %arg2[%dma_wait3A_261, %dma_wait3A_262] : memref<10000x128xf32, #tpu.memory_space<hbm>> -> memref<10000x128xf32, #tpu.memory_space<hbm>>
      tpu.wait_indirect_dma semaphore(%arg12 : memref<!tpu.dma_semaphore, #tpu.memory_space<semaphore_mem>>) src(%dma_wait3A_263 : memref<10000x128xf32, #tpu.memory_space<hbm>>) dst(%arg8 : memref<80x128xf32, #tpu.memory_space<vmem>>)
      "tpu.region"() ({
        %run_scoped3A_278 = tpu.sem_alloc : memref<!tpu.dma_semaphore, #tpu.memory_space<semaphore_mem>>
        %dma_start3A_279 = arith.constant 0 : i32
        %dma_start3A_280 = tpu.memref_slice %arg7[%mul3A_249, %dma_start3A_279] : memref<125x80xi32, #tpu.memory_space<vmem>> -> memref<1x80xi32, #tpu.memory_space<vmem>>
        %dma_start3A_281 = tpu.memref_squeeze %dma_start3A_280 : memref<1x80xi32, #tpu.memory_space<vmem>> -> memref<80xi32, #tpu.memory_space<vmem>>
        %dma_start3A_282 = arith.constant 0 : i32
        %dma_start3A_283 = arith.constant 0 : i32
        %dma_start3A_284 = tpu.memref_slice %arg11[%dma_start3A_282, %dma_start3A_283] : memref<10240x128xf32, #tpu.memory_space<vmem_shared>> -> memref<10240x128xf32, #tpu.memory_space<vmem_shared>>
        tpu.enqueue_indirect_dma source(%arg8 : memref<80x128xf32, #tpu.memory_space<vmem>>) target(%dma_start3A_284 : memref<10240x128xf32, #tpu.memory_space<vmem_shared>>) offsets(%dma_start3A_281 : memref<80xi32, #tpu.memory_space<vmem>>) semaphore(%run_scoped3A_278 : memref<!tpu.dma_semaphore, #tpu.memory_space<semaphore_mem>>) {add = true}
        %dma_wait3A_285 = arith.constant 0 : i32
        %dma_wait3A_286 = tpu.memref_slice %arg7[%mul3A_249, %dma_wait3A_285] : memref<125x80xi32, #tpu.memory_space<vmem>> -> memref<1x80xi32, #tpu.memory_space<vmem>>
        %dma_wait3A_287 = tpu.memref_squeeze %dma_wait3A_286 : memref<1x80xi32, #tpu.memory_space<vmem>> -> memref<80xi32, #tpu.memory_space<vmem>>
        %dma_wait3A_288 = arith.constant 0 : i32
        %dma_wait3A_289 = arith.constant 0 : i32
        %dma_wait3A_290 = tpu.memref_slice %arg11[%dma_wait3A_288, %dma_wait3A_289] : memref<10240x128xf32, #tpu.memory_space<vmem_shared>> -> memref<10240x128xf32, #tpu.memory_space<vmem_shared>>
        tpu.wait_indirect_dma semaphore(%run_scoped3A_278 : memref<!tpu.dma_semaphore, #tpu.memory_space<semaphore_mem>>) src(%arg8 : memref<80x128xf32, #tpu.memory_space<vmem>>) dst(%dma_wait3A_290 : memref<10240x128xf32, #tpu.memory_space<vmem_shared>>)
        tpu.yield
      }) : () -> ()
      %add3A_264 = arith.constant 2 : i32
      %add3A_265 = arith.addi %mul3A_249, %add3A_264 : i32
      %lt3A = arith.constant 125 : i32
      %lt3A_266 = arith.cmpi slt, %add3A_265, %lt3A : i32
      %convert_element_type3A = arith.extui %lt3A_266 : i1 to i32
      %cond3A = arith.constant 0 : i32
      %cond3A_267 = arith.cmpi ne, %convert_element_type3A, %cond3A : i32
      scf.if %cond3A_267 {
        %add3A_278 = arith.constant 2 : i32
        %add3A_279 = arith.addi %mul3A_249, %add3A_278 : i32
        %mul3A_280 = arith.constant 80 : i32
        %mul3A_281 = arith.muli %add3A_279, %mul3A_280 : i32
        %dma_start3A_282 = tpu.memref_slice %arg6[%mul3A_281] : memref<10000xi32, #tpu.memory_space<vmem>> -> memref<80xi32, #tpu.memory_space<vmem>>
        %dma_start3A_283 = arith.constant 0 : i32
        %dma_start3A_284 = arith.constant 0 : i32
        %dma_start3A_285 = tpu.memref_slice %arg2[%dma_start3A_283, %dma_start3A_284] : memref<10000x128xf32, #tpu.memory_space<hbm>> -> memref<10000x128xf32, #tpu.memory_space<hbm>>
        tpu.enqueue_indirect_dma source(%dma_start3A_285 : memref<10000x128xf32, #tpu.memory_space<hbm>>) target(%arg8 : memref<80x128xf32, #tpu.memory_space<vmem>>) offsets(%dma_start3A_282 : memref<80xi32, #tpu.memory_space<vmem>>) semaphore(%arg12 : memref<!tpu.dma_semaphore, #tpu.memory_space<semaphore_mem>>)
      } else {
      }
      %add3A_268 = arith.constant 1 : i32
      %add3A_269 = arith.addi %mul3A_249, %add3A_268 : i32
      %mul3A_270 = arith.constant 80 : i32
      %mul3A_271 = arith.muli %add3A_269, %mul3A_270 : i32
      %dma_wait3A_272 = tpu.memref_slice %arg6[%mul3A_271] : memref<10000xi32, #tpu.memory_space<vmem>> -> memref<80xi32, #tpu.memory_space<vmem>>
      %dma_wait3A_273 = arith.constant 0 : i32
      %dma_wait3A_274 = arith.constant 0 : i32
      %dma_wait3A_275 = tpu.memref_slice %arg2[%dma_wait3A_273, %dma_wait3A_274] : memref<10000x128xf32, #tpu.memory_space<hbm>> -> memref<10000x128xf32, #tpu.memory_space<hbm>>
      tpu.wait_indirect_dma semaphore(%arg13 : memref<!tpu.dma_semaphore, #tpu.memory_space<semaphore_mem>>) src(%dma_wait3A_275 : memref<10000x128xf32, #tpu.memory_space<hbm>>) dst(%arg9 : memref<80x128xf32, #tpu.memory_space<vmem>>)
      %add3A_276 = arith.constant 1 : i32
      %add3A_277 = arith.addi %mul3A_249, %add3A_276 : i32
      "tpu.region"() ({
        %run_scoped3A_278 = tpu.sem_alloc : memref<!tpu.dma_semaphore, #tpu.memory_space<semaphore_mem>>
        %dma_start3A_279 = arith.constant 0 : i32
        %dma_start3A_280 = tpu.memref_slice %arg7[%add3A_277, %dma_start3A_279] : memref<125x80xi32, #tpu.memory_space<vmem>> -> memref<1x80xi32, #tpu.memory_space<vmem>>
        %dma_start3A_281 = tpu.memref_squeeze %dma_start3A_280 : memref<1x80xi32, #tpu.memory_space<vmem>> -> memref<80xi32, #tpu.memory_space<vmem>>
        %dma_start3A_282 = arith.constant 0 : i32
        %dma_start3A_283 = arith.constant 0 : i32
        %dma_start3A_284 = tpu.memref_slice %arg11[%dma_start3A_282, %dma_start3A_283] : memref<10240x128xf32, #tpu.memory_space<vmem_shared>> -> memref<10240x128xf32, #tpu.memory_space<vmem_shared>>
        tpu.enqueue_indirect_dma source(%arg9 : memref<80x128xf32, #tpu.memory_space<vmem>>) target(%dma_start3A_284 : memref<10240x128xf32, #tpu.memory_space<vmem_shared>>) offsets(%dma_start3A_281 : memref<80xi32, #tpu.memory_space<vmem>>) semaphore(%run_scoped3A_278 : memref<!tpu.dma_semaphore, #tpu.memory_space<semaphore_mem>>) {add = true}
        %dma_wait3A_285 = arith.constant 0 : i32
        %dma_wait3A_286 = tpu.memref_slice %arg7[%add3A_277, %dma_wait3A_285] : memref<125x80xi32, #tpu.memory_space<vmem>> -> memref<1x80xi32, #tpu.memory_space<vmem>>
        %dma_wait3A_287 = tpu.memref_squeeze %dma_wait3A_286 : memref<1x80xi32, #tpu.memory_space<vmem>> -> memref<80xi32, #tpu.memory_space<vmem>>
        %dma_wait3A_288 = arith.constant 0 : i32
        %dma_wait3A_289 = arith.constant 0 : i32
        %dma_wait3A_290 = tpu.memref_slice %arg11[%dma_wait3A_288, %dma_wait3A_289] : memref<10240x128xf32, #tpu.memory_space<vmem_shared>> -> memref<10240x128xf32, #tpu.memory_space<vmem_shared>>
        tpu.wait_indirect_dma semaphore(%run_scoped3A_278 : memref<!tpu.dma_semaphore, #tpu.memory_space<semaphore_mem>>) src(%arg9 : memref<80x128xf32, #tpu.memory_space<vmem>>) dst(%dma_wait3A_290 : memref<10240x128xf32, #tpu.memory_space<vmem_shared>>)
        tpu.yield
      }) : () -> ()
    }
    %scan3A_236 = arith.constant 62 : i32
    %dma_wait3A_237 = arith.constant 9920 : i32
    %dma_wait3A_238 = tpu.memref_slice %arg6[%dma_wait3A_237] : memref<10000xi32, #tpu.memory_space<vmem>> -> memref<80xi32, #tpu.memory_space<vmem>>
    %dma_wait3A_239 = arith.constant 0 : i32
    %dma_wait3A_240 = arith.constant 0 : i32
    %dma_wait3A_241 = tpu.memref_slice %arg2[%dma_wait3A_239, %dma_wait3A_240] : memref<10000x128xf32, #tpu.memory_space<hbm>> -> memref<10000x128xf32, #tpu.memory_space<hbm>>
    tpu.wait_indirect_dma semaphore(%arg12 : memref<!tpu.dma_semaphore, #tpu.memory_space<semaphore_mem>>) src(%dma_wait3A_241 : memref<10000x128xf32, #tpu.memory_space<hbm>>) dst(%arg8 : memref<80x128xf32, #tpu.memory_space<vmem>>)
    %run_scoped3A = arith.constant 124 : i32
    "tpu.region"() ({
      %run_scoped3A_243 = tpu.sem_alloc : memref<!tpu.dma_semaphore, #tpu.memory_space<semaphore_mem>>
      %dma_start3A_244 = arith.constant 0 : i32
      %dma_start3A_245 = tpu.memref_slice %arg7[%run_scoped3A, %dma_start3A_244] : memref<125x80xi32, #tpu.memory_space<vmem>> -> memref<1x80xi32, #tpu.memory_space<vmem>>
      %dma_start3A_246 = tpu.memref_squeeze %dma_start3A_245 : memref<1x80xi32, #tpu.memory_space<vmem>> -> memref<80xi32, #tpu.memory_space<vmem>>
      %dma_start3A_247 = arith.constant 0 : i32
      %dma_start3A_248 = arith.constant 0 : i32
      %dma_start3A_249 = tpu.memref_slice %arg11[%dma_start3A_247, %dma_start3A_248] : memref<10240x128xf32, #tpu.memory_space<vmem_shared>> -> memref<10240x128xf32, #tpu.memory_space<vmem_shared>>
      tpu.enqueue_indirect_dma source(%arg8 : memref<80x128xf32, #tpu.memory_space<vmem>>) target(%dma_start3A_249 : memref<10240x128xf32, #tpu.memory_space<vmem_shared>>) offsets(%dma_start3A_246 : memref<80xi32, #tpu.memory_space<vmem>>) semaphore(%run_scoped3A_243 : memref<!tpu.dma_semaphore, #tpu.memory_space<semaphore_mem>>) {add = true}
      %dma_wait3A_250 = arith.constant 0 : i32
      %dma_wait3A_251 = tpu.memref_slice %arg7[%run_scoped3A, %dma_wait3A_250] : memref<125x80xi32, #tpu.memory_space<vmem>> -> memref<1x80xi32, #tpu.memory_space<vmem>>
      %dma_wait3A_252 = tpu.memref_squeeze %dma_wait3A_251 : memref<1x80xi32, #tpu.memory_space<vmem>> -> memref<80xi32, #tpu.memory_space<vmem>>
      %dma_wait3A_253 = arith.constant 0 : i32
      %dma_wait3A_254 = arith.constant 0 : i32
      %dma_wait3A_255 = tpu.memref_slice %arg11[%dma_wait3A_253, %dma_wait3A_254] : memref<10240x128xf32, #tpu.memory_space<vmem_shared>> -> memref<10240x128xf32, #tpu.memory_space<vmem_shared>>
      tpu.wait_indirect_dma semaphore(%run_scoped3A_243 : memref<!tpu.dma_semaphore, #tpu.memory_space<semaphore_mem>>) src(%arg8 : memref<80x128xf32, #tpu.memory_space<vmem>>) dst(%dma_wait3A_255 : memref<10240x128xf32, #tpu.memory_space<vmem_shared>>)
      tpu.yield
    }) : () -> ()
    %barrier3A_242 = arith.constant 0 : index
    tpu.barrier barrier_id(%barrier3A_242)
    "tpu.region"() ({
      %run_scoped3A_243 = tpu.sem_alloc : memref<!tpu.dma_semaphore, #tpu.memory_space<semaphore_mem>>
      %dma_start3A_244 = arith.constant 0 : i32
      %dma_start3A_245 = tpu.memref_slice %arg5[%arg0, %mul3A_17, %dma_start3A_244] : memref<2x10240x128xf32, #tpu.memory_space<hbm>> -> memref<1x640x128xf32, #tpu.memory_space<hbm>>
      %dma_start3A_246 = tpu.memref_squeeze %dma_start3A_245 : memref<1x640x128xf32, #tpu.memory_space<hbm>> -> memref<640x128xf32, #tpu.memory_space<hbm>>
      %dma_start3A_247 = arith.constant 0 : i32
      %dma_start3A_248 = tpu.memref_slice %arg11[%mul3A_17, %dma_start3A_247] : memref<10240x128xf32, #tpu.memory_space<vmem_shared>> -> memref<640x128xf32, #tpu.memory_space<vmem_shared>>
      tpu.enqueue_dma source(%dma_start3A_248 : memref<640x128xf32, #tpu.memory_space<vmem_shared>>) target(%dma_start3A_246 : memref<640x128xf32, #tpu.memory_space<hbm>>) target_semaphore(%run_scoped3A_243 : memref<!tpu.dma_semaphore, #tpu.memory_space<semaphore_mem>>)
      %dma_wait3A_249 = arith.constant 0 : i32
      %dma_wait3A_250 = tpu.memref_slice %arg5[%arg0, %mul3A_17, %dma_wait3A_249] : memref<2x10240x128xf32, #tpu.memory_space<hbm>> -> memref<1x640x128xf32, #tpu.memory_space<hbm>>
      %dma_wait3A_251 = tpu.memref_squeeze %dma_wait3A_250 : memref<1x640x128xf32, #tpu.memory_space<hbm>> -> memref<640x128xf32, #tpu.memory_space<hbm>>
      %dma_wait3A_252 = arith.constant 0 : i32
      %dma_wait3A_253 = tpu.memref_slice %arg11[%mul3A_17, %dma_wait3A_252] : memref<10240x128xf32, #tpu.memory_space<vmem_shared>> -> memref<640x128xf32, #tpu.memory_space<vmem_shared>>
      tpu.wait_dma2 semaphore(%run_scoped3A_243 : memref<!tpu.dma_semaphore, #tpu.memory_space<semaphore_mem>>) src(%dma_wait3A_253 : memref<640x128xf32, #tpu.memory_space<vmem_shared>>) dst(%dma_wait3A_251 : memref<640x128xf32, #tpu.memory_space<hbm>>)
      tpu.yield
    }) : () -> ()
    return
  }
}

#map = affine_map<(d0, d1) -> (0, 0)>
#map1 = affine_map<(d0, d1) -> (0)>
#map2 = affine_map<(d0, d1) -> (0, 0, 0)>
module attributes {stable_mosaic.version = 14 : i64} {
  func.func @k(%arg0: i32, %arg1: i32, %arg2: memref<10000x128xf32, #tpu.memory_space<hbm>>, %arg3: memref<320000xi32, #tpu.memory_space<hbm>>, %arg4: memref<32x125x80xi32, #tpu.memory_space<hbm>>, %arg5: memref<2x10240x128xf32, #tpu.memory_space<hbm>>, %arg6: memref<10000xi32, #tpu.memory_space<vmem>>, %arg7: memref<125x80xi32, #tpu.memory_space<vmem>>, %arg8: memref<80x128xf32, #tpu.memory_space<vmem>>, %arg9: memref<80x128xf32, #tpu.memory_space<vmem>>, %arg10: memref<32x128xf32, #tpu.memory_space<vmem>>, %arg11: memref<10240x128xf32, #tpu.memory_space<vmem_shared>>, %arg12: memref<!tpu.dma_semaphore, #tpu.memory_space<semaphore_mem>>, %arg13: memref<!tpu.dma_semaphore, #tpu.memory_space<semaphore_mem>>, %arg14: memref<!tpu.dma_semaphore, #tpu.memory_space<semaphore_mem>>) attributes {dimension_semantics = [#tpu.dimension_semantics<core_parallel>, #tpu.dimension_semantics<subcore_parallel>], iteration_bounds = array<i64: 2, 16>, scalar_prefetch = 0 : i64, scratch_operands = 9 : i64, tpu.core_type = #tpu.core_type<sc_vector_subcore>, window_params = [{transform_indices = #map}, {transform_indices = #map1}, {transform_indices = #map2}, {transform_indices = #map2}]} {
    %mul3A = arith.constant 2 : i32
    %mul3A_0 = arith.muli %arg1, %mul3A : i32
    %add3A = arith.addi %mul3A_0, %arg0 : i32
    %mul3A_1 = arith.constant 10000 : i32
    %mul3A_2 = arith.muli %add3A, %mul3A_1 : i32
    %dma_start3A = tpu.memref_slice %arg3[%mul3A_2] : memref<320000xi32, #tpu.memory_space<hbm>> -> memref<10000xi32, #tpu.memory_space<hbm>>
    %dma_start3A_3 = tpu.memref_slice %arg3[%mul3A_2] : memref<320000xi32, #tpu.memory_space<hbm>> -> memref<10000xi32, #tpu.memory_space<hbm>>
    tpu.enqueue_dma source(%dma_start3A_3 : memref<10000xi32, #tpu.memory_space<hbm>>) target(%arg6 : memref<10000xi32, #tpu.memory_space<vmem>>) target_semaphore(%arg12 : memref<!tpu.dma_semaphore, #tpu.memory_space<semaphore_mem>>)
    %dma_start3A_4 = arith.constant 0 : i32
    %dma_start3A_5 = arith.constant 0 : i32
    %dma_start3A_6 = tpu.memref_slice %arg4[%add3A, %dma_start3A_4, %dma_start3A_5] : memref<32x125x80xi32, #tpu.memory_space<hbm>> -> memref<1x125x80xi32, #tpu.memory_space<hbm>>
    %dma_start3A_7 = tpu.memref_squeeze %dma_start3A_6 : memref<1x125x80xi32, #tpu.memory_space<hbm>> -> memref<125x80xi32, #tpu.memory_space<hbm>>
    %dma_start3A_8 = arith.constant 0 : i32
    %dma_start3A_9 = arith.constant 0 : i32
    %dma_start3A_10 = tpu.memref_slice %arg4[%add3A, %dma_start3A_8, %dma_start3A_9] : memref<32x125x80xi32, #tpu.memory_space<hbm>> -> memref<1x125x80xi32, #tpu.memory_space<hbm>>
    %dma_start3A_11 = tpu.memref_squeeze %dma_start3A_10 : memref<1x125x80xi32, #tpu.memory_space<hbm>> -> memref<125x80xi32, #tpu.memory_space<hbm>>
    tpu.enqueue_dma source(%dma_start3A_11 : memref<125x80xi32, #tpu.memory_space<hbm>>) target(%arg7 : memref<125x80xi32, #tpu.memory_space<vmem>>) target_semaphore(%arg13 : memref<!tpu.dma_semaphore, #tpu.memory_space<semaphore_mem>>)
    %scan3A = arith.constant 0 : i32
    %scan3A_12 = arith.constant 32 : i32
    %scan3A_13 = arith.addi %scan3A, %scan3A_12 : i32
    %scan3A_14 = arith.constant 1 : i32
    scf.for %scan3A_243 = %scan3A to %scan3A_13 step %scan3A_14  : i32 {
      %mul3A_244 = arith.constant 1 : i32
      %mul3A_245 = arith.muli %scan3A_243, %mul3A_244 : i32
      %add3A_246 = arith.constant 0 : i32
      %add3A_247 = arith.addi %add3A_246, %mul3A_245 : i32
      %scan3A_248 = arith.constant 0 : i32
      %scan3A_249 = arith.constant 8 : i32
      %scan3A_250 = arith.addi %scan3A_248, %scan3A_249 : i32
      %scan3A_251 = arith.constant 1 : i32
      scf.for %scan3A_253 = %scan3A_248 to %scan3A_250 step %scan3A_251  : i32 {
        %mul3A_254 = arith.constant 1 : i32
        %mul3A_255 = arith.muli %scan3A_253, %mul3A_254 : i32
        %add3A_256 = arith.constant 0 : i32
        %add3A_257 = arith.addi %add3A_256, %mul3A_255 : i32
        %broadcast_in_dim3A = arith.constant 0.000000e+00 : f32
        %broadcast_in_dim3A_258 = vector.broadcast %broadcast_in_dim3A : f32 to vector<16xf32>
        %mul3A_259 = arith.constant 16 : i32
        %mul3A_260 = arith.muli %add3A_257, %mul3A_259 : i32
        %swap3A = arith.index_cast %add3A_247 : i32 to index
        %swap3A_261 = arith.index_cast %mul3A_260 : i32 to index
        %swap3A_262 = tpu.vector_load %arg10[%swap3A, %swap3A_261] {strides = array<i32>} : memref<32x128xf32, #tpu.memory_space<vmem>>, vector<1x16xf32>,
        %swap3A_263 = vector.shape_cast %swap3A_262 : vector<1x16xf32> to vector<16xf32>
        %swap3A_264 = vector.shape_cast %broadcast_in_dim3A_258 : vector<16xf32> to vector<1x16xf32>
        tpu.vector_store %arg10[%swap3A, %swap3A_261], %swap3A_264 {strides = array<i32>} : memref<32x128xf32, #tpu.memory_space<vmem>>, vector<1x16xf32>,
      }
      %scan3A_252 = arith.constant 8 : i32
    }
    %scan3A_15 = arith.constant 32 : i32
    %mul3A_16 = arith.constant 640 : i32
    %mul3A_17 = arith.muli %arg1, %mul3A_16 : i32
    %add3A_18 = arith.constant 0 : i32
    %add3A_19 = arith.addi %mul3A_17, %add3A_18 : i32
    %dma_start3A_20 = arith.constant 0 : i32
    %dma_start3A_21 = tpu.memref_slice %arg11[%add3A_19, %dma_start3A_20] : memref<10240x128xf32, #tpu.memory_space<vmem_shared>> -> memref<32x128xf32, #tpu.memory_space<vmem_shared>>
    %dma_start3A_22 = arith.constant 0 : i32
    %dma_start3A_23 = tpu.memref_slice %arg11[%add3A_19, %dma_start3A_22] : memref<10240x128xf32, #tpu.memory_space<vmem_shared>> -> memref<32x128xf32, #tpu.memory_space<vmem_shared>>
    tpu.enqueue_dma source(%arg10 : memref<32x128xf32, #tpu.memory_space<vmem>>) target(%dma_start3A_23 : memref<32x128xf32, #tpu.memory_space<vmem_shared>>) target_semaphore(%arg14 : memref<!tpu.dma_semaphore, #tpu.memory_space<semaphore_mem>>)
    %add3A_24 = arith.constant 32 : i32
    %add3A_25 = arith.addi %mul3A_17, %add3A_24 : i32
    %dma_start3A_26 = arith.constant 0 : i32
    %dma_start3A_27 = tpu.memref_slice %arg11[%add3A_25, %dma_start3A_26] : memref<10240x128xf32, #tpu.memory_space<vmem_shared>> -> memref<32x128xf32, #tpu.memory_space<vmem_shared>>
    %dma_start3A_28 = arith.constant 0 : i32
    %dma_start3A_29 = tpu.memref_slice %arg11[%add3A_25, %dma_start3A_28] : memref<10240x128xf32, #tpu.memory_space<vmem_shared>> -> memref<32x128xf32, #tpu.memory_space<vmem_shared>>
    tpu.enqueue_dma source(%arg10 : memref<32x128xf32, #tpu.memory_space<vmem>>) target(%dma_start3A_29 : memref<32x128xf32, #tpu.memory_space<vmem_shared>>) target_semaphore(%arg14 : memref<!tpu.dma_semaphore, #tpu.memory_space<semaphore_mem>>)
    %dma_wait3A = arith.constant 0 : i32
    %dma_wait3A_30 = tpu.memref_slice %arg11[%add3A_19, %dma_wait3A] : memref<10240x128xf32, #tpu.memory_space<vmem_shared>> -> memref<32x128xf32, #tpu.memory_space<vmem_shared>>
    %dma_wait3A_31 = arith.constant 0 : i32
    %dma_wait3A_32 = tpu.memref_slice %arg11[%add3A_19, %dma_wait3A_31] : memref<10240x128xf32, #tpu.memory_space<vmem_shared>> -> memref<32x128xf32, #tpu.memory_space<vmem_shared>>
    tpu.wait_dma2 semaphore(%arg14 : memref<!tpu.dma_semaphore, #tpu.memory_space<semaphore_mem>>) src(%arg10 : memref<32x128xf32, #tpu.memory_space<vmem>>) dst(%dma_wait3A_32 : memref<32x128xf32, #tpu.memory_space<vmem_shared>>)
    %add3A_33 = arith.constant 64 : i32
    %add3A_34 = arith.addi %mul3A_17, %add3A_33 : i32
    %dma_start3A_35 = arith.constant 0 : i32
    %dma_start3A_36 = tpu.memref_slice %arg11[%add3A_34, %dma_start3A_35] : memref<10240x128xf32, #tpu.memory_space<vmem_shared>> -> memref<32x128xf32, #tpu.memory_space<vmem_shared>>
    %dma_start3A_37 = arith.constant 0 : i32
    %dma_start3A_38 = tpu.memref_slice %arg11[%add3A_34, %dma_start3A_37] : memref<10240x128xf32, #tpu.memory_space<vmem_shared>> -> memref<32x128xf32, #tpu.memory_space<vmem_shared>>
    tpu.enqueue_dma source(%arg10 : memref<32x128xf32, #tpu.memory_space<vmem>>) target(%dma_start3A_38 : memref<32x128xf32, #tpu.memory_space<vmem_shared>>) target_semaphore(%arg14 : memref<!tpu.dma_semaphore, #tpu.memory_space<semaphore_mem>>)
    %dma_wait3A_39 = arith.constant 0 : i32
    %dma_wait3A_40 = tpu.memref_slice %arg11[%add3A_25, %dma_wait3A_39] : memref<10240x128xf32, #tpu.memory_space<vmem_shared>> -> memref<32x128xf32, #tpu.memory_space<vmem_shared>>
    %dma_wait3A_41 = arith.constant 0 : i32
    %dma_wait3A_42 = tpu.memref_slice %arg11[%add3A_25, %dma_wait3A_41] : memref<10240x128xf32, #tpu.memory_space<vmem_shared>> -> memref<32x128xf32, #tpu.memory_space<vmem_shared>>
    tpu.wait_dma2 semaphore(%arg14 : memref<!tpu.dma_semaphore, #tpu.memory_space<semaphore_mem>>) src(%arg10 : memref<32x128xf32, #tpu.memory_space<vmem>>) dst(%dma_wait3A_42 : memref<32x128xf32, #tpu.memory_space<vmem_shared>>)
    %add3A_43 = arith.constant 96 : i32
    %add3A_44 = arith.addi %mul3A_17, %add3A_43 : i32
    %dma_start3A_45 = arith.constant 0 : i32
    %dma_start3A_46 = tpu.memref_slice %arg11[%add3A_44, %dma_start3A_45] : memref<10240x128xf32, #tpu.memory_space<vmem_shared>> -> memref<32x128xf32, #tpu.memory_space<vmem_shared>>
    %dma_start3A_47 = arith.constant 0 : i32
    %dma_start3A_48 = tpu.memref_slice %arg11[%add3A_44, %dma_start3A_47] : memref<10240x128xf32, #tpu.memory_space<vmem_shared>> -> memref<32x128xf32, #tpu.memory_space<vmem_shared>>
    tpu.enqueue_dma source(%arg10 : memref<32x128xf32, #tpu.memory_space<vmem>>) target(%dma_start3A_48 : memref<32x128xf32, #tpu.memory_space<vmem_shared>>) target_semaphore(%arg14 : memref<!tpu.dma_semaphore, #tpu.memory_space<semaphore_mem>>)
    %dma_wait3A_49 = arith.constant 0 : i32
    %dma_wait3A_50 = tpu.memref_slice %arg11[%add3A_34, %dma_wait3A_49] : memref<10240x128xf32, #tpu.memory_space<vmem_shared>> -> memref<32x128xf32, #tpu.memory_space<vmem_shared>>
    %dma_wait3A_51 = arith.constant 0 : i32
    %dma_wait3A_52 = tpu.memref_slice %arg11[%add3A_34, %dma_wait3A_51] : memref<10240x128xf32, #tpu.memory_space<vmem_shared>> -> memref<32x128xf32, #tpu.memory_space<vmem_shared>>
    tpu.wait_dma2 semaphore(%arg14 : memref<!tpu.dma_semaphore, #tpu.memory_space<semaphore_mem>>) src(%arg10 : memref<32x128xf32, #tpu.memory_space<vmem>>) dst(%dma_wait3A_52 : memref<32x128xf32, #tpu.memory_space<vmem_shared>>)
    %add3A_53 = arith.constant 128 : i32
    %add3A_54 = arith.addi %mul3A_17, %add3A_53 : i32
    %dma_start3A_55 = arith.constant 0 : i32
    %dma_start3A_56 = tpu.memref_slice %arg11[%add3A_54, %dma_start3A_55] : memref<10240x128xf32, #tpu.memory_space<vmem_shared>> -> memref<32x128xf32, #tpu.memory_space<vmem_shared>>
    %dma_start3A_57 = arith.constant 0 : i32
    %dma_start3A_58 = tpu.memref_slice %arg11[%add3A_54, %dma_start3A_57] : memref<10240x128xf32, #tpu.memory_space<vmem_shared>> -> memref<32x128xf32, #tpu.memory_space<vmem_shared>>
    tpu.enqueue_dma source(%arg10 : memref<32x128xf32, #tpu.memory_space<vmem>>) target(%dma_start3A_58 : memref<32x128xf32, #tpu.memory_space<vmem_shared>>) target_semaphore(%arg14 : memref<!tpu.dma_semaphore, #tpu.memory_space<semaphore_mem>>)
    %dma_wait3A_59 = arith.constant 0 : i32
    %dma_wait3A_60 = tpu.memref_slice %arg11[%add3A_44, %dma_wait3A_59] : memref<10240x128xf32, #tpu.memory_space<vmem_shared>> -> memref<32x128xf32, #tpu.memory_space<vmem_shared>>
    %dma_wait3A_61 = arith.constant 0 : i32
    %dma_wait3A_62 = tpu.memref_slice %arg11[%add3A_44, %dma_wait3A_61] : memref<10240x128xf32, #tpu.memory_space<vmem_shared>> -> memref<32x128xf32, #tpu.memory_space<vmem_shared>>
    tpu.wait_dma2 semaphore(%arg14 : memref<!tpu.dma_semaphore, #tpu.memory_space<semaphore_mem>>) src(%arg10 : memref<32x128xf32, #tpu.memory_space<vmem>>) dst(%dma_wait3A_62 : memref<32x128xf32, #tpu.memory_space<vmem_shared>>)
    %add3A_63 = arith.constant 160 : i32
    %add3A_64 = arith.addi %mul3A_17, %add3A_63 : i32
    %dma_start3A_65 = arith.constant 0 : i32
    %dma_start3A_66 = tpu.memref_slice %arg11[%add3A_64, %dma_start3A_65] : memref<10240x128xf32, #tpu.memory_space<vmem_shared>> -> memref<32x128xf32, #tpu.memory_space<vmem_shared>>
    %dma_start3A_67 = arith.constant 0 : i32
    %dma_start3A_68 = tpu.memref_slice %arg11[%add3A_64, %dma_start3A_67] : memref<10240x128xf32, #tpu.memory_space<vmem_shared>> -> memref<32x128xf32, #tpu.memory_space<vmem_shared>>
    tpu.enqueue_dma source(%arg10 : memref<32x128xf32, #tpu.memory_space<vmem>>) target(%dma_start3A_68 : memref<32x128xf32, #tpu.memory_space<vmem_shared>>) target_semaphore(%arg14 : memref<!tpu.dma_semaphore, #tpu.memory_space<semaphore_mem>>)
    %dma_wait3A_69 = arith.constant 0 : i32
    %dma_wait3A_70 = tpu.memref_slice %arg11[%add3A_54, %dma_wait3A_69] : memref<10240x128xf32, #tpu.memory_space<vmem_shared>> -> memref<32x128xf32, #tpu.memory_space<vmem_shared>>
    %dma_wait3A_71 = arith.constant 0 : i32
    %dma_wait3A_72 = tpu.memref_slice %arg11[%add3A_54, %dma_wait3A_71] : memref<10240x128xf32, #tpu.memory_space<vmem_shared>> -> memref<32x128xf32, #tpu.memory_space<vmem_shared>>
    tpu.wait_dma2 semaphore(%arg14 : memref<!tpu.dma_semaphore, #tpu.memory_space<semaphore_mem>>) src(%arg10 : memref<32x128xf32, #tpu.memory_space<vmem>>) dst(%dma_wait3A_72 : memref<32x128xf32, #tpu.memory_space<vmem_shared>>)
    %add3A_73 = arith.constant 192 : i32
    %add3A_74 = arith.addi %mul3A_17, %add3A_73 : i32
    %dma_start3A_75 = arith.constant 0 : i32
    %dma_start3A_76 = tpu.memref_slice %arg11[%add3A_74, %dma_start3A_75] : memref<10240x128xf32, #tpu.memory_space<vmem_shared>> -> memref<32x128xf32, #tpu.memory_space<vmem_shared>>
    %dma_start3A_77 = arith.constant 0 : i32
    %dma_start3A_78 = tpu.memref_slice %arg11[%add3A_74, %dma_start3A_77] : memref<10240x128xf32, #tpu.memory_space<vmem_shared>> -> memref<32x128xf32, #tpu.memory_space<vmem_shared>>
    tpu.enqueue_dma source(%arg10 : memref<32x128xf32, #tpu.memory_space<vmem>>) target(%dma_start3A_78 : memref<32x128xf32, #tpu.memory_space<vmem_shared>>) target_semaphore(%arg14 : memref<!tpu.dma_semaphore, #tpu.memory_space<semaphore_mem>>)
    %dma_wait3A_79 = arith.constant 0 : i32
    %dma_wait3A_80 = tpu.memref_slice %arg11[%add3A_64, %dma_wait3A_79] : memref<10240x128xf32, #tpu.memory_space<vmem_shared>> -> memref<32x128xf32, #tpu.memory_space<vmem_shared>>
    %dma_wait3A_81 = arith.constant 0 : i32
    %dma_wait3A_82 = tpu.memref_slice %arg11[%add3A_64, %dma_wait3A_81] : memref<10240x128xf32, #tpu.memory_space<vmem_shared>> -> memref<32x128xf32, #tpu.memory_space<vmem_shared>>
    tpu.wait_dma2 semaphore(%arg14 : memref<!tpu.dma_semaphore, #tpu.memory_space<semaphore_mem>>) src(%arg10 : memref<32x128xf32, #tpu.memory_space<vmem>>) dst(%dma_wait3A_82 : memref<32x128xf32, #tpu.memory_space<vmem_shared>>)
    %add3A_83 = arith.constant 224 : i32
    %add3A_84 = arith.addi %mul3A_17, %add3A_83 : i32
    %dma_start3A_85 = arith.constant 0 : i32
    %dma_start3A_86 = tpu.memref_slice %arg11[%add3A_84, %dma_start3A_85] : memref<10240x128xf32, #tpu.memory_space<vmem_shared>> -> memref<32x128xf32, #tpu.memory_space<vmem_shared>>
    %dma_start3A_87 = arith.constant 0 : i32
    %dma_start3A_88 = tpu.memref_slice %arg11[%add3A_84, %dma_start3A_87] : memref<10240x128xf32, #tpu.memory_space<vmem_shared>> -> memref<32x128xf32, #tpu.memory_space<vmem_shared>>
    tpu.enqueue_dma source(%arg10 : memref<32x128xf32, #tpu.memory_space<vmem>>) target(%dma_start3A_88 : memref<32x128xf32, #tpu.memory_space<vmem_shared>>) target_semaphore(%arg14 : memref<!tpu.dma_semaphore, #tpu.memory_space<semaphore_mem>>)
    %dma_wait3A_89 = arith.constant 0 : i32
    %dma_wait3A_90 = tpu.memref_slice %arg11[%add3A_74, %dma_wait3A_89] : memref<10240x128xf32, #tpu.memory_space<vmem_shared>> -> memref<32x128xf32, #tpu.memory_space<vmem_shared>>
    %dma_wait3A_91 = arith.constant 0 : i32
    %dma_wait3A_92 = tpu.memref_slice %arg11[%add3A_74, %dma_wait3A_91] : memref<10240x128xf32, #tpu.memory_space<vmem_shared>> -> memref<32x128xf32, #tpu.memory_space<vmem_shared>>
    tpu.wait_dma2 semaphore(%arg14 : memref<!tpu.dma_semaphore, #tpu.memory_space<semaphore_mem>>) src(%arg10 : memref<32x128xf32, #tpu.memory_space<vmem>>) dst(%dma_wait3A_92 : memref<32x128xf32, #tpu.memory_space<vmem_shared>>)
    %add3A_93 = arith.constant 256 : i32
    %add3A_94 = arith.addi %mul3A_17, %add3A_93 : i32
    %dma_start3A_95 = arith.constant 0 : i32
    %dma_start3A_96 = tpu.memref_slice %arg11[%add3A_94, %dma_start3A_95] : memref<10240x128xf32, #tpu.memory_space<vmem_shared>> -> memref<32x128xf32, #tpu.memory_space<vmem_shared>>
    %dma_start3A_97 = arith.constant 0 : i32
    %dma_start3A_98 = tpu.memref_slice %arg11[%add3A_94, %dma_start3A_97] : memref<10240x128xf32, #tpu.memory_space<vmem_shared>> -> memref<32x128xf32, #tpu.memory_space<vmem_shared>>
    tpu.enqueue_dma source(%arg10 : memref<32x128xf32, #tpu.memory_space<vmem>>) target(%dma_start3A_98 : memref<32x128xf32, #tpu.memory_space<vmem_shared>>) target_semaphore(%arg14 : memref<!tpu.dma_semaphore, #tpu.memory_space<semaphore_mem>>)
    %dma_wait3A_99 = arith.constant 0 : i32
    %dma_wait3A_100 = tpu.memref_slice %arg11[%add3A_84, %dma_wait3A_99] : memref<10240x128xf32, #tpu.memory_space<vmem_shared>> -> memref<32x128xf32, #tpu.memory_space<vmem_shared>>
    %dma_wait3A_101 = arith.constant 0 : i32
    %dma_wait3A_102 = tpu.memref_slice %arg11[%add3A_84, %dma_wait3A_101] : memref<10240x128xf32, #tpu.memory_space<vmem_shared>> -> memref<32x128xf32, #tpu.memory_space<vmem_shared>>
    tpu.wait_dma2 semaphore(%arg14 : memref<!tpu.dma_semaphore, #tpu.memory_space<semaphore_mem>>) src(%arg10 : memref<32x128xf32, #tpu.memory_space<vmem>>) dst(%dma_wait3A_102 : memref<32x128xf32, #tpu.memory_space<vmem_shared>>)
    %add3A_103 = arith.constant 288 : i32
    %add3A_104 = arith.addi %mul3A_17, %add3A_103 : i32
    %dma_start3A_105 = arith.constant 0 : i32
    %dma_start3A_106 = tpu.memref_slice %arg11[%add3A_104, %dma_start3A_105] : memref<10240x128xf32, #tpu.memory_space<vmem_shared>> -> memref<32x128xf32, #tpu.memory_space<vmem_shared>>
    %dma_start3A_107 = arith.constant 0 : i32
    %dma_start3A_108 = tpu.memref_slice %arg11[%add3A_104, %dma_start3A_107] : memref<10240x128xf32, #tpu.memory_space<vmem_shared>> -> memref<32x128xf32, #tpu.memory_space<vmem_shared>>
    tpu.enqueue_dma source(%arg10 : memref<32x128xf32, #tpu.memory_space<vmem>>) target(%dma_start3A_108 : memref<32x128xf32, #tpu.memory_space<vmem_shared>>) target_semaphore(%arg14 : memref<!tpu.dma_semaphore, #tpu.memory_space<semaphore_mem>>)
    %dma_wait3A_109 = arith.constant 0 : i32
    %dma_wait3A_110 = tpu.memref_slice %arg11[%add3A_94, %dma_wait3A_109] : memref<10240x128xf32, #tpu.memory_space<vmem_shared>> -> memref<32x128xf32, #tpu.memory_space<vmem_shared>>
    %dma_wait3A_111 = arith.constant 0 : i32
    %dma_wait3A_112 = tpu.memref_slice %arg11[%add3A_94, %dma_wait3A_111] : memref<10240x128xf32, #tpu.memory_space<vmem_shared>> -> memref<32x128xf32, #tpu.memory_space<vmem_shared>>
    tpu.wait_dma2 semaphore(%arg14 : memref<!tpu.dma_semaphore, #tpu.memory_space<semaphore_mem>>) src(%arg10 : memref<32x128xf32, #tpu.memory_space<vmem>>) dst(%dma_wait3A_112 : memref<32x128xf32, #tpu.memory_space<vmem_shared>>)
    %add3A_113 = arith.constant 320 : i32
    %add3A_114 = arith.addi %mul3A_17, %add3A_113 : i32
    %dma_start3A_115 = arith.constant 0 : i32
    %dma_start3A_116 = tpu.memref_slice %arg11[%add3A_114, %dma_start3A_115] : memref<10240x128xf32, #tpu.memory_space<vmem_shared>> -> memref<32x128xf32, #tpu.memory_space<vmem_shared>>
    %dma_start3A_117 = arith.constant 0 : i32
    %dma_start3A_118 = tpu.memref_slice %arg11[%add3A_114, %dma_start3A_117] : memref<10240x128xf32, #tpu.memory_space<vmem_shared>> -> memref<32x128xf32, #tpu.memory_space<vmem_shared>>
    tpu.enqueue_dma source(%arg10 : memref<32x128xf32, #tpu.memory_space<vmem>>) target(%dma_start3A_118 : memref<32x128xf32, #tpu.memory_space<vmem_shared>>) target_semaphore(%arg14 : memref<!tpu.dma_semaphore, #tpu.memory_space<semaphore_mem>>)
    %dma_wait3A_119 = arith.constant 0 : i32
    %dma_wait3A_120 = tpu.memref_slice %arg11[%add3A_104, %dma_wait3A_119] : memref<10240x128xf32, #tpu.memory_space<vmem_shared>> -> memref<32x128xf32, #tpu.memory_space<vmem_shared>>
    %dma_wait3A_121 = arith.constant 0 : i32
    %dma_wait3A_122 = tpu.memref_slice %arg11[%add3A_104, %dma_wait3A_121] : memref<10240x128xf32, #tpu.memory_space<vmem_shared>> -> memref<32x128xf32, #tpu.memory_space<vmem_shared>>
    tpu.wait_dma2 semaphore(%arg14 : memref<!tpu.dma_semaphore, #tpu.memory_space<semaphore_mem>>) src(%arg10 : memref<32x128xf32, #tpu.memory_space<vmem>>) dst(%dma_wait3A_122 : memref<32x128xf32, #tpu.memory_space<vmem_shared>>)
    %add3A_123 = arith.constant 352 : i32
    %add3A_124 = arith.addi %mul3A_17, %add3A_123 : i32
    %dma_start3A_125 = arith.constant 0 : i32
    %dma_start3A_126 = tpu.memref_slice %arg11[%add3A_124, %dma_start3A_125] : memref<10240x128xf32, #tpu.memory_space<vmem_shared>> -> memref<32x128xf32, #tpu.memory_space<vmem_shared>>
    %dma_start3A_127 = arith.constant 0 : i32
    %dma_start3A_128 = tpu.memref_slice %arg11[%add3A_124, %dma_start3A_127] : memref<10240x128xf32, #tpu.memory_space<vmem_shared>> -> memref<32x128xf32, #tpu.memory_space<vmem_shared>>
    tpu.enqueue_dma source(%arg10 : memref<32x128xf32, #tpu.memory_space<vmem>>) target(%dma_start3A_128 : memref<32x128xf32, #tpu.memory_space<vmem_shared>>) target_semaphore(%arg14 : memref<!tpu.dma_semaphore, #tpu.memory_space<semaphore_mem>>)
    %dma_wait3A_129 = arith.constant 0 : i32
    %dma_wait3A_130 = tpu.memref_slice %arg11[%add3A_114, %dma_wait3A_129] : memref<10240x128xf32, #tpu.memory_space<vmem_shared>> -> memref<32x128xf32, #tpu.memory_space<vmem_shared>>
    %dma_wait3A_131 = arith.constant 0 : i32
    %dma_wait3A_132 = tpu.memref_slice %arg11[%add3A_114, %dma_wait3A_131] : memref<10240x128xf32, #tpu.memory_space<vmem_shared>> -> memref<32x128xf32, #tpu.memory_space<vmem_shared>>
    tpu.wait_dma2 semaphore(%arg14 : memref<!tpu.dma_semaphore, #tpu.memory_space<semaphore_mem>>) src(%arg10 : memref<32x128xf32, #tpu.memory_space<vmem>>) dst(%dma_wait3A_132 : memref<32x128xf32, #tpu.memory_space<vmem_shared>>)
    %add3A_133 = arith.constant 384 : i32
    %add3A_134 = arith.addi %mul3A_17, %add3A_133 : i32
    %dma_start3A_135 = arith.constant 0 : i32
    %dma_start3A_136 = tpu.memref_slice %arg11[%add3A_134, %dma_start3A_135] : memref<10240x128xf32, #tpu.memory_space<vmem_shared>> -> memref<32x128xf32, #tpu.memory_space<vmem_shared>>
    %dma_start3A_137 = arith.constant 0 : i32
    %dma_start3A_138 = tpu.memref_slice %arg11[%add3A_134, %dma_start3A_137] : memref<10240x128xf32, #tpu.memory_space<vmem_shared>> -> memref<32x128xf32, #tpu.memory_space<vmem_shared>>
    tpu.enqueue_dma source(%arg10 : memref<32x128xf32, #tpu.memory_space<vmem>>) target(%dma_start3A_138 : memref<32x128xf32, #tpu.memory_space<vmem_shared>>) target_semaphore(%arg14 : memref<!tpu.dma_semaphore, #tpu.memory_space<semaphore_mem>>)
    %dma_wait3A_139 = arith.constant 0 : i32
    %dma_wait3A_140 = tpu.memref_slice %arg11[%add3A_124, %dma_wait3A_139] : memref<10240x128xf32, #tpu.memory_space<vmem_shared>> -> memref<32x128xf32, #tpu.memory_space<vmem_shared>>
    %dma_wait3A_141 = arith.constant 0 : i32
    %dma_wait3A_142 = tpu.memref_slice %arg11[%add3A_124, %dma_wait3A_141] : memref<10240x128xf32, #tpu.memory_space<vmem_shared>> -> memref<32x128xf32, #tpu.memory_space<vmem_shared>>
    tpu.wait_dma2 semaphore(%arg14 : memref<!tpu.dma_semaphore, #tpu.memory_space<semaphore_mem>>) src(%arg10 : memref<32x128xf32, #tpu.memory_space<vmem>>) dst(%dma_wait3A_142 : memref<32x128xf32, #tpu.memory_space<vmem_shared>>)
    %add3A_143 = arith.constant 416 : i32
    %add3A_144 = arith.addi %mul3A_17, %add3A_143 : i32
    %dma_start3A_145 = arith.constant 0 : i32
    %dma_start3A_146 = tpu.memref_slice %arg11[%add3A_144, %dma_start3A_145] : memref<10240x128xf32, #tpu.memory_space<vmem_shared>> -> memref<32x128xf32, #tpu.memory_space<vmem_shared>>
    %dma_start3A_147 = arith.constant 0 : i32
    %dma_start3A_148 = tpu.memref_slice %arg11[%add3A_144, %dma_start3A_147] : memref<10240x128xf32, #tpu.memory_space<vmem_shared>> -> memref<32x128xf32, #tpu.memory_space<vmem_shared>>
    tpu.enqueue_dma source(%arg10 : memref<32x128xf32, #tpu.memory_space<vmem>>) target(%dma_start3A_148 : memref<32x128xf32, #tpu.memory_space<vmem_shared>>) target_semaphore(%arg14 : memref<!tpu.dma_semaphore, #tpu.memory_space<semaphore_mem>>)
    %dma_wait3A_149 = arith.constant 0 : i32
    %dma_wait3A_150 = tpu.memref_slice %arg11[%add3A_134, %dma_wait3A_149] : memref<10240x128xf32, #tpu.memory_space<vmem_shared>> -> memref<32x128xf32, #tpu.memory_space<vmem_shared>>
    %dma_wait3A_151 = arith.constant 0 : i32
    %dma_wait3A_152 = tpu.memref_slice %arg11[%add3A_134, %dma_wait3A_151] : memref<10240x128xf32, #tpu.memory_space<vmem_shared>> -> memref<32x128xf32, #tpu.memory_space<vmem_shared>>
    tpu.wait_dma2 semaphore(%arg14 : memref<!tpu.dma_semaphore, #tpu.memory_space<semaphore_mem>>) src(%arg10 : memref<32x128xf32, #tpu.memory_space<vmem>>) dst(%dma_wait3A_152 : memref<32x128xf32, #tpu.memory_space<vmem_shared>>)
    %add3A_153 = arith.constant 448 : i32
    %add3A_154 = arith.addi %mul3A_17, %add3A_153 : i32
    %dma_start3A_155 = arith.constant 0 : i32
    %dma_start3A_156 = tpu.memref_slice %arg11[%add3A_154, %dma_start3A_155] : memref<10240x128xf32, #tpu.memory_space<vmem_shared>> -> memref<32x128xf32, #tpu.memory_space<vmem_shared>>
    %dma_start3A_157 = arith.constant 0 : i32
    %dma_start3A_158 = tpu.memref_slice %arg11[%add3A_154, %dma_start3A_157] : memref<10240x128xf32, #tpu.memory_space<vmem_shared>> -> memref<32x128xf32, #tpu.memory_space<vmem_shared>>
    tpu.enqueue_dma source(%arg10 : memref<32x128xf32, #tpu.memory_space<vmem>>) target(%dma_start3A_158 : memref<32x128xf32, #tpu.memory_space<vmem_shared>>) target_semaphore(%arg14 : memref<!tpu.dma_semaphore, #tpu.memory_space<semaphore_mem>>)
    %dma_wait3A_159 = arith.constant 0 : i32
    %dma_wait3A_160 = tpu.memref_slice %arg11[%add3A_144, %dma_wait3A_159] : memref<10240x128xf32, #tpu.memory_space<vmem_shared>> -> memref<32x128xf32, #tpu.memory_space<vmem_shared>>
    %dma_wait3A_161 = arith.constant 0 : i32
    %dma_wait3A_162 = tpu.memref_slice %arg11[%add3A_144, %dma_wait3A_161] : memref<10240x128xf32, #tpu.memory_space<vmem_shared>> -> memref<32x128xf32, #tpu.memory_space<vmem_shared>>
    tpu.wait_dma2 semaphore(%arg14 : memref<!tpu.dma_semaphore, #tpu.memory_space<semaphore_mem>>) src(%arg10 : memref<32x128xf32, #tpu.memory_space<vmem>>) dst(%dma_wait3A_162 : memref<32x128xf32, #tpu.memory_space<vmem_shared>>)
    %add3A_163 = arith.constant 480 : i32
    %add3A_164 = arith.addi %mul3A_17, %add3A_163 : i32
    %dma_start3A_165 = arith.constant 0 : i32
    %dma_start3A_166 = tpu.memref_slice %arg11[%add3A_164, %dma_start3A_165] : memref<10240x128xf32, #tpu.memory_space<vmem_shared>> -> memref<32x128xf32, #tpu.memory_space<vmem_shared>>
    %dma_start3A_167 = arith.constant 0 : i32
    %dma_start3A_168 = tpu.memref_slice %arg11[%add3A_164, %dma_start3A_167] : memref<10240x128xf32, #tpu.memory_space<vmem_shared>> -> memref<32x128xf32, #tpu.memory_space<vmem_shared>>
    tpu.enqueue_dma source(%arg10 : memref<32x128xf32, #tpu.memory_space<vmem>>) target(%dma_start3A_168 : memref<32x128xf32, #tpu.memory_space<vmem_shared>>) target_semaphore(%arg14 : memref<!tpu.dma_semaphore, #tpu.memory_space<semaphore_mem>>)
    %dma_wait3A_169 = arith.constant 0 : i32
    %dma_wait3A_170 = tpu.memref_slice %arg11[%add3A_154, %dma_wait3A_169] : memref<10240x128xf32, #tpu.memory_space<vmem_shared>> -> memref<32x128xf32, #tpu.memory_space<vmem_shared>>
    %dma_wait3A_171 = arith.constant 0 : i32
    %dma_wait3A_172 = tpu.memref_slice %arg11[%add3A_154, %dma_wait3A_171] : memref<10240x128xf32, #tpu.memory_space<vmem_shared>> -> memref<32x128xf32, #tpu.memory_space<vmem_shared>>
    tpu.wait_dma2 semaphore(%arg14 : memref<!tpu.dma_semaphore, #tpu.memory_space<semaphore_mem>>) src(%arg10 : memref<32x128xf32, #tpu.memory_space<vmem>>) dst(%dma_wait3A_172 : memref<32x128xf32, #tpu.memory_space<vmem_shared>>)
    %add3A_173 = arith.constant 512 : i32
    %add3A_174 = arith.addi %mul3A_17, %add3A_173 : i32
    %dma_start3A_175 = arith.constant 0 : i32
    %dma_start3A_176 = tpu.memref_slice %arg11[%add3A_174, %dma_start3A_175] : memref<10240x128xf32, #tpu.memory_space<vmem_shared>> -> memref<32x128xf32, #tpu.memory_space<vmem_shared>>
    %dma_start3A_177 = arith.constant 0 : i32
    %dma_start3A_178 = tpu.memref_slice %arg11[%add3A_174, %dma_start3A_177] : memref<10240x128xf32, #tpu.memory_space<vmem_shared>> -> memref<32x128xf32, #tpu.memory_space<vmem_shared>>
    tpu.enqueue_dma source(%arg10 : memref<32x128xf32, #tpu.memory_space<vmem>>) target(%dma_start3A_178 : memref<32x128xf32, #tpu.memory_space<vmem_shared>>) target_semaphore(%arg14 : memref<!tpu.dma_semaphore, #tpu.memory_space<semaphore_mem>>)
    %dma_wait3A_179 = arith.constant 0 : i32
    %dma_wait3A_180 = tpu.memref_slice %arg11[%add3A_164, %dma_wait3A_179] : memref<10240x128xf32, #tpu.memory_space<vmem_shared>> -> memref<32x128xf32, #tpu.memory_space<vmem_shared>>
    %dma_wait3A_181 = arith.constant 0 : i32
    %dma_wait3A_182 = tpu.memref_slice %arg11[%add3A_164, %dma_wait3A_181] : memref<10240x128xf32, #tpu.memory_space<vmem_shared>> -> memref<32x128xf32, #tpu.memory_space<vmem_shared>>
    tpu.wait_dma2 semaphore(%arg14 : memref<!tpu.dma_semaphore, #tpu.memory_space<semaphore_mem>>) src(%arg10 : memref<32x128xf32, #tpu.memory_space<vmem>>) dst(%dma_wait3A_182 : memref<32x128xf32, #tpu.memory_space<vmem_shared>>)
    %add3A_183 = arith.constant 544 : i32
    %add3A_184 = arith.addi %mul3A_17, %add3A_183 : i32
    %dma_start3A_185 = arith.constant 0 : i32
    %dma_start3A_186 = tpu.memref_slice %arg11[%add3A_184, %dma_start3A_185] : memref<10240x128xf32, #tpu.memory_space<vmem_shared>> -> memref<32x128xf32, #tpu.memory_space<vmem_shared>>
    %dma_start3A_187 = arith.constant 0 : i32
    %dma_start3A_188 = tpu.memref_slice %arg11[%add3A_184, %dma_start3A_187] : memref<10240x128xf32, #tpu.memory_space<vmem_shared>> -> memref<32x128xf32, #tpu.memory_space<vmem_shared>>
    tpu.enqueue_dma source(%arg10 : memref<32x128xf32, #tpu.memory_space<vmem>>) target(%dma_start3A_188 : memref<32x128xf32, #tpu.memory_space<vmem_shared>>) target_semaphore(%arg14 : memref<!tpu.dma_semaphore, #tpu.memory_space<semaphore_mem>>)
    %dma_wait3A_189 = arith.constant 0 : i32
    %dma_wait3A_190 = tpu.memref_slice %arg11[%add3A_174, %dma_wait3A_189] : memref<10240x128xf32, #tpu.memory_space<vmem_shared>> -> memref<32x128xf32, #tpu.memory_space<vmem_shared>>
    %dma_wait3A_191 = arith.constant 0 : i32
    %dma_wait3A_192 = tpu.memref_slice %arg11[%add3A_174, %dma_wait3A_191] : memref<10240x128xf32, #tpu.memory_space<vmem_shared>> -> memref<32x128xf32, #tpu.memory_space<vmem_shared>>
    tpu.wait_dma2 semaphore(%arg14 : memref<!tpu.dma_semaphore, #tpu.memory_space<semaphore_mem>>) src(%arg10 : memref<32x128xf32, #tpu.memory_space<vmem>>) dst(%dma_wait3A_192 : memref<32x128xf32, #tpu.memory_space<vmem_shared>>)
    %add3A_193 = arith.constant 576 : i32
    %add3A_194 = arith.addi %mul3A_17, %add3A_193 : i32
    %dma_start3A_195 = arith.constant 0 : i32
    %dma_start3A_196 = tpu.memref_slice %arg11[%add3A_194, %dma_start3A_195] : memref<10240x128xf32, #tpu.memory_space<vmem_shared>> -> memref<32x128xf32, #tpu.memory_space<vmem_shared>>
    %dma_start3A_197 = arith.constant 0 : i32
    %dma_start3A_198 = tpu.memref_slice %arg11[%add3A_194, %dma_start3A_197] : memref<10240x128xf32, #tpu.memory_space<vmem_shared>> -> memref<32x128xf32, #tpu.memory_space<vmem_shared>>
    tpu.enqueue_dma source(%arg10 : memref<32x128xf32, #tpu.memory_space<vmem>>) target(%dma_start3A_198 : memref<32x128xf32, #tpu.memory_space<vmem_shared>>) target_semaphore(%arg14 : memref<!tpu.dma_semaphore, #tpu.memory_space<semaphore_mem>>)
    %dma_wait3A_199 = arith.constant 0 : i32
    %dma_wait3A_200 = tpu.memref_slice %arg11[%add3A_184, %dma_wait3A_199] : memref<10240x128xf32, #tpu.memory_space<vmem_shared>> -> memref<32x128xf32, #tpu.memory_space<vmem_shared>>
    %dma_wait3A_201 = arith.constant 0 : i32
    %dma_wait3A_202 = tpu.memref_slice %arg11[%add3A_184, %dma_wait3A_201] : memref<10240x128xf32, #tpu.memory_space<vmem_shared>> -> memref<32x128xf32, #tpu.memory_space<vmem_shared>>
    tpu.wait_dma2 semaphore(%arg14 : memref<!tpu.dma_semaphore, #tpu.memory_space<semaphore_mem>>) src(%arg10 : memref<32x128xf32, #tpu.memory_space<vmem>>) dst(%dma_wait3A_202 : memref<32x128xf32, #tpu.memory_space<vmem_shared>>)
    %add3A_203 = arith.constant 608 : i32
    %add3A_204 = arith.addi %mul3A_17, %add3A_203 : i32
    %dma_start3A_205 = arith.constant 0 : i32
    %dma_start3A_206 = tpu.memref_slice %arg11[%add3A_204, %dma_start3A_205] : memref<10240x128xf32, #tpu.memory_space<vmem_shared>> -> memref<32x128xf32, #tpu.memory_space<vmem_shared>>
    %dma_start3A_207 = arith.constant 0 : i32
    %dma_start3A_208 = tpu.memref_slice %arg11[%add3A_204, %dma_start3A_207] : memref<10240x128xf32, #tpu.memory_space<vmem_shared>> -> memref<32x128xf32, #tpu.memory_space<vmem_shared>>
    tpu.enqueue_dma source(%arg10 : memref<32x128xf32, #tpu.memory_space<vmem>>) target(%dma_start3A_208 : memref<32x128xf32, #tpu.memory_space<vmem_shared>>) target_semaphore(%arg14 : memref<!tpu.dma_semaphore, #tpu.memory_space<semaphore_mem>>)
    %dma_wait3A_209 = arith.constant 0 : i32
    %dma_wait3A_210 = tpu.memref_slice %arg11[%add3A_194, %dma_wait3A_209] : memref<10240x128xf32, #tpu.memory_space<vmem_shared>> -> memref<32x128xf32, #tpu.memory_space<vmem_shared>>
    %dma_wait3A_211 = arith.constant 0 : i32
    %dma_wait3A_212 = tpu.memref_slice %arg11[%add3A_194, %dma_wait3A_211] : memref<10240x128xf32, #tpu.memory_space<vmem_shared>> -> memref<32x128xf32, #tpu.memory_space<vmem_shared>>
    tpu.wait_dma2 semaphore(%arg14 : memref<!tpu.dma_semaphore, #tpu.memory_space<semaphore_mem>>) src(%arg10 : memref<32x128xf32, #tpu.memory_space<vmem>>) dst(%dma_wait3A_212 : memref<32x128xf32, #tpu.memory_space<vmem_shared>>)
    %dma_wait3A_213 = arith.constant 0 : i32
    %dma_wait3A_214 = tpu.memref_slice %arg11[%add3A_204, %dma_wait3A_213] : memref<10240x128xf32, #tpu.memory_space<vmem_shared>> -> memref<32x128xf32, #tpu.memory_space<vmem_shared>>
    %dma_wait3A_215 = arith.constant 0 : i32
    %dma_wait3A_216 = tpu.memref_slice %arg11[%add3A_204, %dma_wait3A_215] : memref<10240x128xf32, #tpu.memory_space<vmem_shared>> -> memref<32x128xf32, #tpu.memory_space<vmem_shared>>
    tpu.wait_dma2 semaphore(%arg14 : memref<!tpu.dma_semaphore, #tpu.memory_space<semaphore_mem>>) src(%arg10 : memref<32x128xf32, #tpu.memory_space<vmem>>) dst(%dma_wait3A_216 : memref<32x128xf32, #tpu.memory_space<vmem_shared>>)
    %dma_wait3A_217 = tpu.memref_slice %arg3[%mul3A_2] : memref<320000xi32, #tpu.memory_space<hbm>> -> memref<10000xi32, #tpu.memory_space<hbm>>
    %dma_wait3A_218 = tpu.memref_slice %arg3[%mul3A_2] : memref<320000xi32, #tpu.memory_space<hbm>> -> memref<10000xi32, #tpu.memory_space<hbm>>
    tpu.wait_dma2 semaphore(%arg12 : memref<!tpu.dma_semaphore, #tpu.memory_space<semaphore_mem>>) src(%dma_wait3A_218 : memref<10000xi32, #tpu.memory_space<hbm>>) dst(%arg6 : memref<10000xi32, #tpu.memory_space<vmem>>)
    %dma_wait3A_219 = arith.constant 0 : i32
    %dma_wait3A_220 = arith.constant 0 : i32
    %dma_wait3A_221 = tpu.memref_slice %arg4[%add3A, %dma_wait3A_219, %dma_wait3A_220] : memref<32x125x80xi32, #tpu.memory_space<hbm>> -> memref<1x125x80xi32, #tpu.memory_space<hbm>>
    %dma_wait3A_222 = tpu.memref_squeeze %dma_wait3A_221 : memref<1x125x80xi32, #tpu.memory_space<hbm>> -> memref<125x80xi32, #tpu.memory_space<hbm>>
    %dma_wait3A_223 = arith.constant 0 : i32
    %dma_wait3A_224 = arith.constant 0 : i32
    %dma_wait3A_225 = tpu.memref_slice %arg4[%add3A, %dma_wait3A_223, %dma_wait3A_224] : memref<32x125x80xi32, #tpu.memory_space<hbm>> -> memref<1x125x80xi32, #tpu.memory_space<hbm>>
    %dma_wait3A_226 = tpu.memref_squeeze %dma_wait3A_225 : memref<1x125x80xi32, #tpu.memory_space<hbm>> -> memref<125x80xi32, #tpu.memory_space<hbm>>
    tpu.wait_dma2 semaphore(%arg13 : memref<!tpu.dma_semaphore, #tpu.memory_space<semaphore_mem>>) src(%dma_wait3A_226 : memref<125x80xi32, #tpu.memory_space<hbm>>) dst(%arg7 : memref<125x80xi32, #tpu.memory_space<vmem>>)
    %barrier3A = arith.constant 0 : index
    tpu.barrier barrier_id(%barrier3A)
    %dma_start3A_227 = arith.constant 0 : i32
    %dma_start3A_228 = tpu.memref_slice %arg6[%dma_start3A_227] : memref<10000xi32, #tpu.memory_space<vmem>> -> memref<80xi32, #tpu.memory_space<vmem>>
    %dma_start3A_229 = arith.constant 0 : i32
    %dma_start3A_230 = arith.constant 0 : i32
    %dma_start3A_231 = tpu.memref_slice %arg2[%dma_start3A_229, %dma_start3A_230] : memref<10000x128xf32, #tpu.memory_space<hbm>> -> memref<10000x128xf32, #tpu.memory_space<hbm>>
    tpu.enqueue_indirect_dma source(%dma_start3A_231 : memref<10000x128xf32, #tpu.memory_space<hbm>>) target(%arg8 : memref<80x128xf32, #tpu.memory_space<vmem>>) offsets(%dma_start3A_228 : memref<80xi32, #tpu.memory_space<vmem>>) semaphore(%arg12 : memref<!tpu.dma_semaphore, #tpu.memory_space<semaphore_mem>>)
    %scan3A_232 = arith.constant 0 : i32
    %scan3A_233 = arith.constant 62 : i32
    %scan3A_234 = arith.addi %scan3A_232, %scan3A_233 : i32
    %scan3A_235 = arith.constant 1 : i32
    scf.for %scan3A_243 = %scan3A_232 to %scan3A_234 step %scan3A_235  : i32 {
      %mul3A_244 = arith.constant 1 : i32
      %mul3A_245 = arith.muli %scan3A_243, %mul3A_244 : i32
      %add3A_246 = arith.constant 0 : i32
      %add3A_247 = arith.addi %add3A_246, %mul3A_245 : i32
      %mul3A_248 = arith.constant 2 : i32
      %mul3A_249 = arith.muli %add3A_247, %mul3A_248 : i32
      %add3A_250 = arith.constant 1 : i32
      %add3A_251 = arith.addi %mul3A_249, %add3A_250 : i32
      %mul3A_252 = arith.constant 80 : i32
      %mul3A_253 = arith.muli %add3A_251, %mul3A_252 : i32
      %dma_start3A_254 = tpu.memref_slice %arg6[%mul3A_253] : memref<10000xi32, #tpu.memory_space<vmem>> -> memref<80xi32, #tpu.memory_space<vmem>>
      %dma_start3A_255 = arith.constant 0 : i32
      %dma_start3A_256 = arith.constant 0 : i32
      %dma_start3A_257 = tpu.memref_slice %arg2[%dma_start3A_255, %dma_start3A_256] : memref<10000x128xf32, #tpu.memory_space<hbm>> -> memref<10000x128xf32, #tpu.memory_space<hbm>>
      tpu.enqueue_indirect_dma source(%dma_start3A_257 : memref<10000x128xf32, #tpu.memory_space<hbm>>) target(%arg9 : memref<80x128xf32, #tpu.memory_space<vmem>>) offsets(%dma_start3A_254 : memref<80xi32, #tpu.memory_space<vmem>>) semaphore(%arg13 : memref<!tpu.dma_semaphore, #tpu.memory_space<semaphore_mem>>)
      %mul3A_258 = arith.constant 80 : i32
      %mul3A_259 = arith.muli %mul3A_249, %mul3A_258 : i32
      %dma_wait3A_260 = tpu.memref_slice %arg6[%mul3A_259] : memref<10000xi32, #tpu.memory_space<vmem>> -> memref<80xi32, #tpu.memory_space<vmem>>
      %dma_wait3A_261 = arith.constant 0 : i32
      %dma_wait3A_262 = arith.constant 0 : i32
      %dma_wait3A_263 = tpu.memref_slice %arg2[%dma_wait3A_261, %dma_wait3A_262] : memref<10000x128xf32, #tpu.memory_space<hbm>> -> memref<10000x128xf32, #tpu.memory_space<hbm>>
      tpu.wait_indirect_dma semaphore(%arg12 : memref<!tpu.dma_semaphore, #tpu.memory_space<semaphore_mem>>) src(%dma_wait3A_263 : memref<10000x128xf32, #tpu.memory_space<hbm>>) dst(%arg8 : memref<80x128xf32, #tpu.memory_space<vmem>>)
      "tpu.region"() ({
        %run_scoped3A_278 = tpu.sem_alloc : memref<!tpu.dma_semaphore, #tpu.memory_space<semaphore_mem>>
        %dma_start3A_279 = arith.constant 0 : i32
        %dma_start3A_280 = tpu.memref_slice %arg7[%mul3A_249, %dma_start3A_279] : memref<125x80xi32, #tpu.memory_space<vmem>> -> memref<1x80xi32, #tpu.memory_space<vmem>>
        %dma_start3A_281 = tpu.memref_squeeze %dma_start3A_280 : memref<1x80xi32, #tpu.memory_space<vmem>> -> memref<80xi32, #tpu.memory_space<vmem>>
        %dma_start3A_282 = arith.constant 0 : i32
        %dma_start3A_283 = arith.constant 0 : i32
        %dma_start3A_284 = tpu.memref_slice %arg11[%dma_start3A_282, %dma_start3A_283] : memref<10240x128xf32, #tpu.memory_space<vmem_shared>> -> memref<10240x128xf32, #tpu.memory_space<vmem_shared>>
        tpu.enqueue_indirect_dma source(%arg8 : memref<80x128xf32, #tpu.memory_space<vmem>>) target(%dma_start3A_284 : memref<10240x128xf32, #tpu.memory_space<vmem_shared>>) offsets(%dma_start3A_281 : memref<80xi32, #tpu.memory_space<vmem>>) semaphore(%run_scoped3A_278 : memref<!tpu.dma_semaphore, #tpu.memory_space<semaphore_mem>>) {add = true}
        %dma_wait3A_285 = arith.constant 0 : i32
        %dma_wait3A_286 = tpu.memref_slice %arg7[%mul3A_249, %dma_wait3A_285] : memref<125x80xi32, #tpu.memory_space<vmem>> -> memref<1x80xi32, #tpu.memory_space<vmem>>
        %dma_wait3A_287 = tpu.memref_squeeze %dma_wait3A_286 : memref<1x80xi32, #tpu.memory_space<vmem>> -> memref<80xi32, #tpu.memory_space<vmem>>
        %dma_wait3A_288 = arith.constant 0 : i32
        %dma_wait3A_289 = arith.constant 0 : i32
        %dma_wait3A_290 = tpu.memref_slice %arg11[%dma_wait3A_288, %dma_wait3A_289] : memref<10240x128xf32, #tpu.memory_space<vmem_shared>> -> memref<10240x128xf32, #tpu.memory_space<vmem_shared>>
        tpu.wait_indirect_dma semaphore(%run_scoped3A_278 : memref<!tpu.dma_semaphore, #tpu.memory_space<semaphore_mem>>) src(%arg8 : memref<80x128xf32, #tpu.memory_space<vmem>>) dst(%dma_wait3A_290 : memref<10240x128xf32, #tpu.memory_space<vmem_shared>>)
        tpu.yield
      }) : () -> ()
      %add3A_264 = arith.constant 2 : i32
      %add3A_265 = arith.addi %mul3A_249, %add3A_264 : i32
      %lt3A = arith.constant 125 : i32
      %lt3A_266 = arith.cmpi slt, %add3A_265, %lt3A : i32
      %convert_element_type3A = arith.extui %lt3A_266 : i1 to i32
      %cond3A = arith.constant 0 : i32
      %cond3A_267 = arith.cmpi ne, %convert_element_type3A, %cond3A : i32
      scf.if %cond3A_267 {
        %add3A_278 = arith.constant 2 : i32
        %add3A_279 = arith.addi %mul3A_249, %add3A_278 : i32
        %mul3A_280 = arith.constant 80 : i32
        %mul3A_281 = arith.muli %add3A_279, %mul3A_280 : i32
        %dma_start3A_282 = tpu.memref_slice %arg6[%mul3A_281] : memref<10000xi32, #tpu.memory_space<vmem>> -> memref<80xi32, #tpu.memory_space<vmem>>
        %dma_start3A_283 = arith.constant 0 : i32
        %dma_start3A_284 = arith.constant 0 : i32
        %dma_start3A_285 = tpu.memref_slice %arg2[%dma_start3A_283, %dma_start3A_284] : memref<10000x128xf32, #tpu.memory_space<hbm>> -> memref<10000x128xf32, #tpu.memory_space<hbm>>
        tpu.enqueue_indirect_dma source(%dma_start3A_285 : memref<10000x128xf32, #tpu.memory_space<hbm>>) target(%arg8 : memref<80x128xf32, #tpu.memory_space<vmem>>) offsets(%dma_start3A_282 : memref<80xi32, #tpu.memory_space<vmem>>) semaphore(%arg12 : memref<!tpu.dma_semaphore, #tpu.memory_space<semaphore_mem>>)
      } else {
      }
      %add3A_268 = arith.constant 1 : i32
      %add3A_269 = arith.addi %mul3A_249, %add3A_268 : i32
      %mul3A_270 = arith.constant 80 : i32
      %mul3A_271 = arith.muli %add3A_269, %mul3A_270 : i32
      %dma_wait3A_272 = tpu.memref_slice %arg6[%mul3A_271] : memref<10000xi32, #tpu.memory_space<vmem>> -> memref<80xi32, #tpu.memory_space<vmem>>
      %dma_wait3A_273 = arith.constant 0 : i32
      %dma_wait3A_274 = arith.constant 0 : i32
      %dma_wait3A_275 = tpu.memref_slice %arg2[%dma_wait3A_273, %dma_wait3A_274] : memref<10000x128xf32, #tpu.memory_space<hbm>> -> memref<10000x128xf32, #tpu.memory_space<hbm>>
      tpu.wait_indirect_dma semaphore(%arg13 : memref<!tpu.dma_semaphore, #tpu.memory_space<semaphore_mem>>) src(%dma_wait3A_275 : memref<10000x128xf32, #tpu.memory_space<hbm>>) dst(%arg9 : memref<80x128xf32, #tpu.memory_space<vmem>>)
      %add3A_276 = arith.constant 1 : i32
      %add3A_277 = arith.addi %mul3A_249, %add3A_276 : i32
      "tpu.region"() ({
        %run_scoped3A_278 = tpu.sem_alloc : memref<!tpu.dma_semaphore, #tpu.memory_space<semaphore_mem>>
        %dma_start3A_279 = arith.constant 0 : i32
        %dma_start3A_280 = tpu.memref_slice %arg7[%add3A_277, %dma_start3A_279] : memref<125x80xi32, #tpu.memory_space<vmem>> -> memref<1x80xi32, #tpu.memory_space<vmem>>
        %dma_start3A_281 = tpu.memref_squeeze %dma_start3A_280 : memref<1x80xi32, #tpu.memory_space<vmem>> -> memref<80xi32, #tpu.memory_space<vmem>>
        %dma_start3A_282 = arith.constant 0 : i32
        %dma_start3A_283 = arith.constant 0 : i32
        %dma_start3A_284 = tpu.memref_slice %arg11[%dma_start3A_282, %dma_start3A_283] : memref<10240x128xf32, #tpu.memory_space<vmem_shared>> -> memref<10240x128xf32, #tpu.memory_space<vmem_shared>>
        tpu.enqueue_indirect_dma source(%arg9 : memref<80x128xf32, #tpu.memory_space<vmem>>) target(%dma_start3A_284 : memref<10240x128xf32, #tpu.memory_space<vmem_shared>>) offsets(%dma_start3A_281 : memref<80xi32, #tpu.memory_space<vmem>>) semaphore(%run_scoped3A_278 : memref<!tpu.dma_semaphore, #tpu.memory_space<semaphore_mem>>) {add = true}
        %dma_wait3A_285 = arith.constant 0 : i32
        %dma_wait3A_286 = tpu.memref_slice %arg7[%add3A_277, %dma_wait3A_285] : memref<125x80xi32, #tpu.memory_space<vmem>> -> memref<1x80xi32, #tpu.memory_space<vmem>>
        %dma_wait3A_287 = tpu.memref_squeeze %dma_wait3A_286 : memref<1x80xi32, #tpu.memory_space<vmem>> -> memref<80xi32, #tpu.memory_space<vmem>>
        %dma_wait3A_288 = arith.constant 0 : i32
        %dma_wait3A_289 = arith.constant 0 : i32
        %dma_wait3A_290 = tpu.memref_slice %arg11[%dma_wait3A_288, %dma_wait3A_289] : memref<10240x128xf32, #tpu.memory_space<vmem_shared>> -> memref<10240x128xf32, #tpu.memory_space<vmem_shared>>
        tpu.wait_indirect_dma semaphore(%run_scoped3A_278 : memref<!tpu.dma_semaphore, #tpu.memory_space<semaphore_mem>>) src(%arg9 : memref<80x128xf32, #tpu.memory_space<vmem>>) dst(%dma_wait3A_290 : memref<10240x128xf32, #tpu.memory_space<vmem_shared>>)
        tpu.yield
      }) : () -> ()
    }
    %scan3A_236 = arith.constant 62 : i32
    %dma_wait3A_237 = arith.constant 9920 : i32
    %dma_wait3A_238 = tpu.memref_slice %arg6[%dma_wait3A_237] : memref<10000xi32, #tpu.memory_space<vmem>> -> memref<80xi32, #tpu.memory_space<vmem>>
    %dma_wait3A_239 = arith.constant 0 : i32
    %dma_wait3A_240 = arith.constant 0 : i32
    %dma_wait3A_241 = tpu.memref_slice %arg2[%dma_wait3A_239, %dma_wait3A_240] : memref<10000x128xf32, #tpu.memory_space<hbm>> -> memref<10000x128xf32, #tpu.memory_space<hbm>>
    tpu.wait_indirect_dma semaphore(%arg12 : memref<!tpu.dma_semaphore, #tpu.memory_space<semaphore_mem>>) src(%dma_wait3A_241 : memref<10000x128xf32, #tpu.memory_space<hbm>>) dst(%arg8 : memref<80x128xf32, #tpu.memory_space<vmem>>)
    %run_scoped3A = arith.constant 124 : i32
    "tpu.region"() ({
      %run_scoped3A_243 = tpu.sem_alloc : memref<!tpu.dma_semaphore, #tpu.memory_space<semaphore_mem>>
      %dma_start3A_244 = arith.constant 0 : i32
      %dma_start3A_245 = tpu.memref_slice %arg7[%run_scoped3A, %dma_start3A_244] : memref<125x80xi32, #tpu.memory_space<vmem>> -> memref<1x80xi32, #tpu.memory_space<vmem>>
      %dma_start3A_246 = tpu.memref_squeeze %dma_start3A_245 : memref<1x80xi32, #tpu.memory_space<vmem>> -> memref<80xi32, #tpu.memory_space<vmem>>
      %dma_start3A_247 = arith.constant 0 : i32
      %dma_start3A_248 = arith.constant 0 : i32
      %dma_start3A_249 = tpu.memref_slice %arg11[%dma_start3A_247, %dma_start3A_248] : memref<10240x128xf32, #tpu.memory_space<vmem_shared>> -> memref<10240x128xf32, #tpu.memory_space<vmem_shared>>
      tpu.enqueue_indirect_dma source(%arg8 : memref<80x128xf32, #tpu.memory_space<vmem>>) target(%dma_start3A_249 : memref<10240x128xf32, #tpu.memory_space<vmem_shared>>) offsets(%dma_start3A_246 : memref<80xi32, #tpu.memory_space<vmem>>) semaphore(%run_scoped3A_243 : memref<!tpu.dma_semaphore, #tpu.memory_space<semaphore_mem>>) {add = true}
      %dma_wait3A_250 = arith.constant 0 : i32
      %dma_wait3A_251 = tpu.memref_slice %arg7[%run_scoped3A, %dma_wait3A_250] : memref<125x80xi32, #tpu.memory_space<vmem>> -> memref<1x80xi32, #tpu.memory_space<vmem>>
      %dma_wait3A_252 = tpu.memref_squeeze %dma_wait3A_251 : memref<1x80xi32, #tpu.memory_space<vmem>> -> memref<80xi32, #tpu.memory_space<vmem>>
      %dma_wait3A_253 = arith.constant 0 : i32
      %dma_wait3A_254 = arith.constant 0 : i32
      %dma_wait3A_255 = tpu.memref_slice %arg11[%dma_wait3A_253, %dma_wait3A_254] : memref<10240x128xf32, #tpu.memory_space<vmem_shared>> -> memref<10240x128xf32, #tpu.memory_space<vmem_shared>>
      tpu.wait_indirect_dma semaphore(%run_scoped3A_243 : memref<!tpu.dma_semaphore, #tpu.memory_space<semaphore_mem>>) src(%arg8 : memref<80x128xf32, #tpu.memory_space<vmem>>) dst(%dma_wait3A_255 : memref<10240x128xf32, #tpu.memory_space<vmem_shared>>)
      tpu.yield
    }) : () -> ()
    %barrier3A_242 = arith.constant 0 : index
    tpu.barrier barrier_id(%barrier3A_242)
    "tpu.region"() ({
      %run_scoped3A_243 = tpu.sem_alloc : memref<!tpu.dma_semaphore, #tpu.memory_space<semaphore_mem>>
      %dma_start3A_244 = arith.constant 0 : i32
      %dma_start3A_245 = tpu.memref_slice %arg5[%arg0, %mul3A_17, %dma_start3A_244] : memref<2x10240x128xf32, #tpu.memory_space<hbm>> -> memref<1x640x128xf32, #tpu.memory_space<hbm>>
      %dma_start3A_246 = tpu.memref_squeeze %dma_start3A_245 : memref<1x640x128xf32, #tpu.memory_space<hbm>> -> memref<640x128xf32, #tpu.memory_space<hbm>>
      %dma_start3A_247 = arith.constant 0 : i32
      %dma_start3A_248 = tpu.memref_slice %arg11[%mul3A_17, %dma_start3A_247] : memref<10240x128xf32, #tpu.memory_space<vmem_shared>> -> memref<640x128xf32, #tpu.memory_space<vmem_shared>>
      tpu.enqueue_dma source(%dma_start3A_248 : memref<640x128xf32, #tpu.memory_space<vmem_shared>>) target(%dma_start3A_246 : memref<640x128xf32, #tpu.memory_space<hbm>>) target_semaphore(%run_scoped3A_243 : memref<!tpu.dma_semaphore, #tpu.memory_space<semaphore_mem>>)
      %dma_wait3A_249 = arith.constant 0 : i32
      %dma_wait3A_250 = tpu.memref_slice %arg5[%arg0, %mul3A_17, %dma_wait3A_249] : memref<2x10240x128xf32, #tpu.memory_space<hbm>> -> memref<1x640x128xf32, #tpu.memory_space<hbm>>
      %dma_wait3A_251 = tpu.memref_squeeze %dma_wait3A_250 : memref<1x640x128xf32, #tpu.memory_space<hbm>> -> memref<640x128xf32, #tpu.memory_space<hbm>>
      %dma_wait3A_252 = arith.constant 0 : i32
      %dma_wait3A_253 = tpu.memref_slice %arg11[%mul3A_17, %dma_wait3A_252] : memref<10240x128xf32, #tpu.memory_space<vmem_shared>> -> memref<640x128xf32, #tpu.memory_space<vmem_shared>>
      tpu.wait_dma2 semaphore(%run_scoped3A_243 : memref<!tpu.dma_semaphore, #tpu.memory_space<semaphore_mem>>) src(%dma_wait3A_253 : memref<640x128xf32, #tpu.memory_space<vmem_shared>>) dst(%dma_wait3A_251 : memref<640x128xf32, #tpu.memory_space<hbm>>)
      tpu.yield
    }) : () -> ()
    return
  }
}

module attributes {stable_mosaic.version = 14 : i64} {
  func.func @body(%arg0: i32, %arg1: memref<2x1000x128xf32, #tpu.memory_space<vmem>>, %arg2: memref<128x128xf32, #tpu.memory_space<vmem>>, %arg3: memref<1x128xf32, #tpu.memory_space<vmem>>, %arg4: memref<1000x128xf32, #tpu.memory_space<vmem>>) attributes {dimension_semantics = [#tpu.dimension_semantics<arbitrary>], iteration_bounds = array<i64: 10>, scalar_prefetch = 0 : i64, scratch_operands = 0 : i64, tpu.core_type = #tpu.core_type<tc>, window_params = [{transform_indices = @transform_0, window_bounds = array<i64: 2, 1000, 128>}, {pipeline_mode = #tpu.pipeline_mode<synchronous>, transform_indices = @transform_1, window_bounds = array<i64: 128, 128>}, {pipeline_mode = #tpu.pipeline_mode<synchronous>, transform_indices = @transform_2, window_bounds = array<i64: 1, 128>}, {transform_indices = @transform_3, window_bounds = array<i64: 1000, 128>}]} {
    %get3A = arith.constant 0 : index
    %get3A_0 = arith.constant 0 : index
    %get3A_1 = arith.constant 0 : index
    %get3A_2 = vector.load %arg1[%get3A, %get3A_0, %get3A_1] : memref<2x1000x128xf32, #tpu.memory_space<vmem>>, vector<1x1000x128xf32>
    %get3A_3 = vector.shape_cast %get3A_2 : vector<1x1000x128xf32> to vector<1000x128xf32>
    %get3A_4 = arith.constant 1 : index
    %get3A_5 = arith.constant 0 : index
    %get3A_6 = arith.constant 0 : index
    %get3A_7 = vector.load %arg1[%get3A_4, %get3A_5, %get3A_6] : memref<2x1000x128xf32, #tpu.memory_space<vmem>>, vector<1x1000x128xf32>
    %get3A_8 = vector.shape_cast %get3A_7 : vector<1x1000x128xf32> to vector<1000x128xf32>
    %add3A = arith.addf %get3A_3, %get3A_8 : vector<1000x128xf32>
    %get3A_9 = arith.constant 0 : index
    %get3A_10 = arith.constant 0 : index
    %get3A_11 = vector.load %arg2[%get3A_9, %get3A_10] : memref<128x128xf32, #tpu.memory_space<vmem>>, vector<128x128xf32>
    %dot_general3A = arith.constant dense<0.000000e+00> : vector<1000x128xf32>
    %dot_general3A_12 = tpu.matmul %add3A, %get3A_11, %dot_general3A {dimension_numbers = #tpu.dot_dimension_numbers<[1], [0], [0], [1], [0, 0, 1, 1], [], []>, transpose_lhs_hint = false} : vector<1000x128xf32>, vector<128x128xf32>, vector<1000x128xf32> -> vector<1000x128xf32>
    %get3A_13 = arith.constant 0 : index
    %get3A_14 = arith.constant 0 : index
    %get3A_15 = vector.load %arg3[%get3A_13, %get3A_14] : memref<1x128xf32, #tpu.memory_space<vmem>>, vector<1x128xf32>
    %add3A_16 = vector.broadcast %get3A_15 : vector<1x128xf32> to vector<1000x128xf32>
    %add3A_17 = arith.addf %dot_general3A_12, %add3A_16 : vector<1000x128xf32>
    %max3A = arith.constant 0.000000e+00 : f32
    %max3A_18 = vector.broadcast %max3A : f32 to vector<1000x128xf32>
    %max3A_19 = arith.maximumf %add3A_17, %max3A_18 : vector<1000x128xf32>
    %swap3A = arith.constant 0 : index
    %swap3A_20 = arith.constant 0 : index
    %swap3A_21 = vector.load %arg4[%swap3A, %swap3A_20] : memref<1000x128xf32, #tpu.memory_space<vmem>>, vector<1000x128xf32>
    tpu.vector_store %arg4[%swap3A, %swap3A_20], %max3A_19 {strides = array<i32>} : memref<1000x128xf32, #tpu.memory_space<vmem>>, vector<1000x128xf32>,
    return
  }
  func.func @transform_0(%arg0: i32) -> (i32, i32, i32) {
    %c0_i32 = arith.constant 0 : i32
    %c0_i32_0 = arith.constant 0 : i32
    %c0_i32_1 = arith.constant 0 : i32
    return %c0_i32, %arg0, %c0_i32_0 : i32, i32, i32
  }
  func.func @transform_1(%arg0: i32) -> (i32, i32) {
    %c0_i32 = arith.constant 0 : i32
    %c0_i32_0 = arith.constant 0 : i32
    %c0_i32_1 = arith.constant 0 : i32
    return %c0_i32, %c0_i32_0 : i32, i32
  }
  func.func @transform_2(%arg0: i32) -> (i32, i32) {
    %c0_i32 = arith.constant 0 : i32
    %c0_i32_0 = arith.constant 0 : i32
    %c0_i32_1 = arith.constant 0 : i32
    return %c0_i32, %c0_i32_0 : i32, i32
  }
  func.func @transform_3(%arg0: i32) -> (i32, i32) {
    %c0_i32 = arith.constant 0 : i32
    %c0_i32_0 = arith.constant 0 : i32
    return %arg0, %c0_i32 : i32, i32
  }
}

module attributes {stable_mosaic.version = 14 : i64} {
  func.func @body(%arg0: i32, %arg1: memref<2x1000x128xf32, #tpu.memory_space<vmem>>, %arg2: memref<128x128xf32, #tpu.memory_space<vmem>>, %arg3: memref<1x128xf32, #tpu.memory_space<vmem>>, %arg4: memref<1x1x1000xi32, #tpu.memory_space<vmem>>, %arg5: memref<128x1xf32, #tpu.memory_space<vmem>>, %arg6: memref<1x1xf32, #tpu.memory_space<vmem>>, %arg7: memref<512x1xf32, #tpu.memory_space<vmem>>, %arg8: memref<512x128xf32, #tpu.memory_space<vmem>>, %arg9: memref<1x512xf32, #tpu.memory_space<vmem>>) attributes {dimension_semantics = [#tpu.dimension_semantics<arbitrary>], iteration_bounds = array<i64: 10>, scalar_prefetch = 0 : i64, scratch_operands = 2 : i64, tpu.core_type = #tpu.core_type<tc>, window_params = [{transform_indices = @transform_0, window_bounds = array<i64: 2, 1000, 128>}, {pipeline_mode = #tpu.pipeline_mode<synchronous>, transform_indices = @transform_1, window_bounds = array<i64: 128, 128>}, {pipeline_mode = #tpu.pipeline_mode<synchronous>, transform_indices = @transform_2, window_bounds = array<i64: 1, 128>}, {transform_indices = @transform_3, window_bounds = array<i64: 1, 1, 1000>}, {pipeline_mode = #tpu.pipeline_mode<synchronous>, transform_indices = @transform_4, window_bounds = array<i64: 128, 1>}, {pipeline_mode = #tpu.pipeline_mode<synchronous>, transform_indices = @transform_5, window_bounds = array<i64: 1, 1>}, {pipeline_mode = #tpu.pipeline_mode<synchronous>, transform_indices = @transform_6, window_bounds = array<i64: 512, 1>}]} {
    %eq3A = arith.constant 0 : i32
    %eq3A_0 = arith.cmpi eq, %arg0, %eq3A : i32
    %convert_element_type3A = arith.extui %eq3A_0 : i1 to i32
    %cond3A = arith.constant 0 : i32
    %cond3A_1 = arith.cmpi ne, %convert_element_type3A, %cond3A : i32
    scf.if %cond3A_1 {
      %broadcast_in_dim3A_51 = arith.constant 0.000000e+00 : f32
      %broadcast_in_dim3A_52 = vector.broadcast %broadcast_in_dim3A_51 : f32 to vector<512x128xf32>
      %swap3A_53 = arith.constant 0 : index
      %swap3A_54 = arith.constant 0 : index
      %swap3A_55 = vector.load %arg8[%swap3A_53, %swap3A_54] : memref<512x128xf32, #tpu.memory_space<vmem>>, vector<512x128xf32>
      tpu.vector_store %arg8[%swap3A_53, %swap3A_54], %broadcast_in_dim3A_52 {strides = array<i32>} : memref<512x128xf32, #tpu.memory_space<vmem>>, vector<512x128xf32>,
      %broadcast_in_dim3A_56 = arith.constant 0.000000e+00 : f32
      %broadcast_in_dim3A_57 = vector.broadcast %broadcast_in_dim3A_56 : f32 to vector<1x512xf32>
      %swap3A_58 = arith.constant 0 : index
      %swap3A_59 = arith.constant 0 : index
      %swap3A_60 = vector.load %arg9[%swap3A_58, %swap3A_59] : memref<1x512xf32, #tpu.memory_space<vmem>>, vector<1x512xf32>
      tpu.vector_store %arg9[%swap3A_58, %swap3A_59], %broadcast_in_dim3A_57 {strides = array<i32>} : memref<1x512xf32, #tpu.memory_space<vmem>>, vector<1x512xf32>,
    } else {
    }
    %get3A = arith.constant 0 : index
    %get3A_2 = arith.constant 0 : index
    %get3A_3 = arith.constant 0 : index
    %get3A_4 = vector.load %arg1[%get3A, %get3A_2, %get3A_3] : memref<2x1000x128xf32, #tpu.memory_space<vmem>>, vector<1x1000x128xf32>
    %get3A_5 = vector.shape_cast %get3A_4 : vector<1x1000x128xf32> to vector<1000x128xf32>
    %get3A_6 = arith.constant 1 : index
    %get3A_7 = arith.constant 0 : index
    %get3A_8 = arith.constant 0 : index
    %get3A_9 = vector.load %arg1[%get3A_6, %get3A_7, %get3A_8] : memref<2x1000x128xf32, #tpu.memory_space<vmem>>, vector<1x1000x128xf32>
    %get3A_10 = vector.shape_cast %get3A_9 : vector<1x1000x128xf32> to vector<1000x128xf32>
    %add3A = arith.addf %get3A_5, %get3A_10 : vector<1000x128xf32>
    %get3A_11 = arith.constant 0 : index
    %get3A_12 = arith.constant 0 : index
    %get3A_13 = vector.load %arg2[%get3A_11, %get3A_12] : memref<128x128xf32, #tpu.memory_space<vmem>>, vector<128x128xf32>
    %dot_general3A = arith.constant dense<0.000000e+00> : vector<1000x128xf32>
    %dot_general3A_14 = tpu.matmul %add3A, %get3A_13, %dot_general3A {dimension_numbers = #tpu.dot_dimension_numbers<[1], [0], [0], [1], [0, 0, 1, 1], [], []>, transpose_lhs_hint = false} : vector<1000x128xf32>, vector<128x128xf32>, vector<1000x128xf32> -> vector<1000x128xf32>
    %get3A_15 = arith.constant 0 : index
    %get3A_16 = arith.constant 0 : index
    %get3A_17 = vector.load %arg3[%get3A_15, %get3A_16] : memref<1x128xf32, #tpu.memory_space<vmem>>, vector<1x128xf32>
    %add3A_18 = vector.broadcast %get3A_17 : vector<1x128xf32> to vector<1000x128xf32>
    %add3A_19 = arith.addf %dot_general3A_14, %add3A_18 : vector<1000x128xf32>
    %max3A = arith.constant 0.000000e+00 : f32
    %max3A_20 = vector.broadcast %max3A : f32 to vector<1000x128xf32>
    %max3A_21 = arith.maximumf %add3A_19, %max3A_20 : vector<1000x128xf32>
    %get3A_22 = arith.constant 0 : index
    %get3A_23 = arith.constant 0 : index
    %get3A_24 = arith.constant 0 : index
    %get3A_25 = vector.load %arg4[%get3A_22, %get3A_23, %get3A_24] : memref<1x1x1000xi32, #tpu.memory_space<vmem>>, vector<1x1x1000xi32>
    %reshape3A = vector.shape_cast %get3A_25 : vector<1x1x1000xi32> to vector<1x1000xi32>
    %iota3A = tpu.iota {dimensions = array<i32: 0>} : vector<512x1000xi32>
    %eq3A_26 = vector.broadcast %reshape3A : vector<1x1000xi32> to vector<512x1000xi32>
    %eq3A_27 = arith.cmpi eq, %iota3A, %eq3A_26 : vector<512x1000xi32>
    %convert_element_type3A_28 = arith.extui %eq3A_27 : vector<512x1000xi1> to vector<512x1000xi32>
    %convert_element_type3A_29 = arith.sitofp %convert_element_type3A_28 : vector<512x1000xi32> to vector<512x1000xf32>
    %get3A_30 = arith.constant 0 : index
    %get3A_31 = arith.constant 0 : index
    %get3A_32 = vector.load %arg8[%get3A_30, %get3A_31] : memref<512x128xf32, #tpu.memory_space<vmem>>, vector<512x128xf32>
    %dot_general3A_33 = arith.constant dense<0.000000e+00> : vector<512x128xf32>
    %dot_general3A_34 = tpu.matmul %convert_element_type3A_29, %max3A_21, %dot_general3A_33 {dimension_numbers = #tpu.dot_dimension_numbers<[1], [0], [0], [1], [0, 0, 1, 1], [], []>, precision = #tpu.contract_precision<fp32>, transpose_lhs_hint = false} : vector<512x1000xf32>, vector<1000x128xf32>, vector<512x128xf32> -> vector<512x128xf32>
    %add3A_35 = arith.addf %get3A_32, %dot_general3A_34 : vector<512x128xf32>
    %swap3A = arith.constant 0 : index
    %swap3A_36 = arith.constant 0 : index
    %swap3A_37 = vector.load %arg8[%swap3A, %swap3A_36] : memref<512x128xf32, #tpu.memory_space<vmem>>, vector<512x128xf32>
    tpu.vector_store %arg8[%swap3A, %swap3A_36], %add3A_35 {strides = array<i32>} : memref<512x128xf32, #tpu.memory_space<vmem>>, vector<512x128xf32>,
    %get3A_38 = arith.constant 0 : index
    %get3A_39 = arith.constant 0 : index
    %get3A_40 = vector.load %arg9[%get3A_38, %get3A_39] : memref<1x512xf32, #tpu.memory_space<vmem>>, vector<1x512xf32>
    %reduce_sum3A = arith.constant dense<0.000000e+00> : vector<512xf32>
    %reduce_sum3A_41 = vector.multi_reduction <add>, %convert_element_type3A_29, %reduce_sum3A [1] : vector<512x1000xf32> to vector<512xf32>
    %broadcast_in_dim3A = vector.shape_cast %reduce_sum3A_41 : vector<512xf32> to vector<1x512xf32>
    %add3A_42 = arith.addf %get3A_40, %broadcast_in_dim3A : vector<1x512xf32>
    %swap3A_43 = arith.constant 0 : index
    %swap3A_44 = arith.constant 0 : index
    %swap3A_45 = vector.load %arg9[%swap3A_43, %swap3A_44] : memref<1x512xf32, #tpu.memory_space<vmem>>, vector<1x512xf32>
    tpu.vector_store %arg9[%swap3A_43, %swap3A_44], %add3A_42 {strides = array<i32>} : memref<1x512xf32, #tpu.memory_space<vmem>>, vector<1x512xf32>,
    %eq3A_46 = arith.constant 9 : i32
    %eq3A_47 = arith.cmpi eq, %arg0, %eq3A_46 : i32
    %convert_element_type3A_48 = arith.extui %eq3A_47 : i1 to i32
    %cond3A_49 = arith.constant 0 : i32
    %cond3A_50 = arith.cmpi ne, %convert_element_type3A_48, %cond3A_49 : i32
    scf.if %cond3A_50 {
      %get3A_51 = arith.constant 0 : index
      %get3A_52 = arith.constant 0 : index
      %get3A_53 = vector.load %arg9[%get3A_51, %get3A_52] : memref<1x512xf32, #tpu.memory_space<vmem>>, vector<1x512xf32>
      %reshape3A_54 = vector.shape_cast %get3A_53 : vector<1x512xf32> to vector<512x1xf32>
      %max3A_55 = arith.constant 1.000000e+00 : f32
      %max3A_56 = vector.broadcast %max3A_55 : f32 to vector<512x1xf32>
      %max3A_57 = arith.maximumf %reshape3A_54, %max3A_56 : vector<512x1xf32>
      %get3A_58 = arith.constant 0 : index
      %get3A_59 = arith.constant 0 : index
      %get3A_60 = vector.load %arg8[%get3A_58, %get3A_59] : memref<512x128xf32, #tpu.memory_space<vmem>>, vector<512x128xf32>
      %div3A = vector.broadcast %max3A_57 : vector<512x1xf32> to vector<512x128xf32>
      %div3A_61 = arith.divf %get3A_60, %div3A : vector<512x128xf32>
      %get3A_62 = arith.constant 0 : index
      %get3A_63 = arith.constant 0 : index
      %get3A_64 = vector.load %arg5[%get3A_62, %get3A_63] : memref<128x1xf32, #tpu.memory_space<vmem>>, vector<128x1xf32>
      %dot_general3A_65 = arith.constant dense<0.000000e+00> : vector<512x1xf32>
      %dot_general3A_66 = tpu.matmul %div3A_61, %get3A_64, %dot_general3A_65 {dimension_numbers = #tpu.dot_dimension_numbers<[1], [0], [0], [1], [0, 0, 1, 1], [], []>, transpose_lhs_hint = false} : vector<512x128xf32>, vector<128x1xf32>, vector<512x1xf32> -> vector<512x1xf32>
      %get3A_67 = arith.constant 0 : index
      %get3A_68 = arith.constant 0 : index
      %get3A_69 = vector.load %arg6[%get3A_67, %get3A_68] : memref<1x1xf32, #tpu.memory_space<vmem>>, vector<1x1xf32>
      %add3A_70 = vector.broadcast %get3A_69 : vector<1x1xf32> to vector<512x1xf32>
      %add3A_71 = arith.addf %dot_general3A_66, %add3A_70 : vector<512x1xf32>
      %swap3A_72 = arith.constant 0 : index
      %swap3A_73 = arith.constant 0 : index
      %swap3A_74 = vector.load %arg7[%swap3A_72, %swap3A_73] : memref<512x1xf32, #tpu.memory_space<vmem>>, vector<512x1xf32>
      tpu.vector_store %arg7[%swap3A_72, %swap3A_73], %add3A_71 {strides = array<i32>} : memref<512x1xf32, #tpu.memory_space<vmem>>, vector<512x1xf32>,
    } else {
    }
    return
  }
  func.func @transform_0(%arg0: i32) -> (i32, i32, i32) {
    %c0_i32 = arith.constant 0 : i32
    %c0_i32_0 = arith.constant 0 : i32
    %c0_i32_1 = arith.constant 0 : i32
    return %c0_i32, %arg0, %c0_i32_0 : i32, i32, i32
  }
  func.func @transform_1(%arg0: i32) -> (i32, i32) {
    %c0_i32 = arith.constant 0 : i32
    %c0_i32_0 = arith.constant 0 : i32
    %c0_i32_1 = arith.constant 0 : i32
    return %c0_i32, %c0_i32_0 : i32, i32
  }
  func.func @transform_2(%arg0: i32) -> (i32, i32) {
    %c0_i32 = arith.constant 0 : i32
    %c0_i32_0 = arith.constant 0 : i32
    %c0_i32_1 = arith.constant 0 : i32
    return %c0_i32, %c0_i32_0 : i32, i32
  }
  func.func @transform_3(%arg0: i32) -> (i32, i32, i32) {
    %c0_i32 = arith.constant 0 : i32
    %c0_i32_0 = arith.constant 0 : i32
    %c0_i32_1 = arith.constant 0 : i32
    return %arg0, %c0_i32, %c0_i32_0 : i32, i32, i32
  }
  func.func @transform_4(%arg0: i32) -> (i32, i32) {
    %c0_i32 = arith.constant 0 : i32
    %c0_i32_0 = arith.constant 0 : i32
    %c0_i32_1 = arith.constant 0 : i32
    return %c0_i32, %c0_i32_0 : i32, i32
  }
  func.func @transform_5(%arg0: i32) -> (i32, i32) {
    %c0_i32 = arith.constant 0 : i32
    %c0_i32_0 = arith.constant 0 : i32
    %c0_i32_1 = arith.constant 0 : i32
    return %c0_i32, %c0_i32_0 : i32, i32
  }
  func.func @transform_6(%arg0: i32) -> (i32, i32) {
    %c0_i32 = arith.constant 0 : i32
    %c0_i32_0 = arith.constant 0 : i32
    %c0_i32_1 = arith.constant 0 : i32
    return %c0_i32, %c0_i32_0 : i32, i32
  }
}

</mosaic_0001>

<sc_bundles>
// kernel: kernel.6.cloned.1.call-start
scs
__scs_entry_jumppad:
0x0: {  	(pc) =	sbr.rel $0x88, $3  }
0x1: {  	(tag) =	ssettag $0x0;
	lr =	simm.s32 $0x1  }
0x2: {  	[smem:$0x3F98] =	sst lr;
	_ =	strace $0xD0000000  }
0x3: {  	_ = 	snop  }
0x4: {  	_ = 	snop  }
0x5: {  	_ = 	snop  }
0x6: {  	_ = 	snop  }
0x7: {  	_ = 	snop  }
__scs_overlays_trampoline_lowered:
0x8: {  	[smem:$0x3FA7] =	sst s0  }
0x9: {  	[smem:$0x3FA8] =	sst s1  }
0xa: {  	[smem:$0x3FA9] =	sst s2  }
0xb: {  	[smem:$0x3FAA] =	sst s3  }
0xc: {  	[smem:$0x3FAB] =	sst s4  }
0xd: {  	[smem:$0x3FAC] =	sst s5  }
0xe: {  	[smem:$0x3FAD] =	sst s6  }
0xf: {  	[smem:$0x3FAE] =	sst s7  }
0x10: {  	[smem:$0x3FAF] =	sst s8  }
0x11: {  	[smem:$0x3FB0] =	sst s9;
	s0 =	simm.s32 @!p0 $0x0  }
0x12: {  	s1 =	sld [smem:$0x3F96];
	s0 =	simm.s32 @p0 $0x1  }
0x13: {  	[smem:$0x3FB1] =	sst s0;
	s0 =	simm.s32 @!p1 $0x0  }
0x14: {  	s2 =	sld [smem:$0x3F95];
	s0 =	simm.s32 @p1 $0x1  }
0x15: {  	[smem:$0x3FB2] =	sst s0;
	s0 =	simm.s32 @!p2 $0x0  }
0x16: {  	s3 =	sld [smem:$0x3FDB];
	s0 =	simm.s32 @p2 $0x1  }
0x17: {  	s4 =	simm.s32 $0x1BF5;
	[smem:$0x3FB4] =	sst s0  }
0x18: {  	s0 =	sld [smem:$0x3F97];
	_ =	swait.ge [sflag:s4], $0x0  }
0x19: {  	s7 =	sld [smem:$0x3F98]  }
0x1a: {  	s8 =	sadd.s32 $0xFFFFE003, lr  }
0x1b: {  	s9 =	sadd.s32 $0xFFFFFEF7, lr;
	s5 =	simm.s32 $0xFFFFFFFF;
	p2 =	slt.u32 s8, $0xFFFFF086  }
0x1c: {  	p1 =	slt.u32 s9, $0xF7A;
	s5 =	simm.s32 @!p2 $0x0  }
0x1d: {  	s5 =	simm.s32 @p1 $0x1;
	p0 =	seq.s32 s7, s2  }
0x1e: {  	s7 =	smul.u32 @!p0 $0xF7A, s2;
	p2 =	seq.s32 @!p0 s5, $0x0  }
0x1f: {  	s9 =	smul.u32 $0xF7A, s1;
	s8 =	simm.s32 @!p0 $0x1BF5;
	p2 =	por !p2, p0  }
0x20: {  	[sflag:s8] =	ssyncset.s32 @!p0 $0xFFFFF086;
	s6 =	sadd.s32 @!p0 s3, s7;
	s7 =	simm.s32 @!p0 $0x108  }
0x21: {  	s3 =	sadd.s32 s3, s9;
	s6 =	sadd.s32 @!p0 $0x88, s6;
	s7 =	simm.s32 @p2 $0x1082  }
0x22: {  	[simem:s7], [sflag:s8] =	dma.local @!p0 [hbm:s6], $0xF7A  }
0x23: {  	s9 =	sor.u32 $0xD0000000, s2;
	s6 =	simm.s32 $0x108;
	_ =	swait.ge @!p0 [sflag:s8], $0x0  }
0x24: {  	s3 =	sadd.s32 $0x88, s3;
	s6 =	simm.s32 @!p1 $0x1082;
	[sflag:s4] =	ssyncset.s32 $0xFFFFF086  }
0x25: {  	[simem:s6], [sflag:s4] =	dma.local [hbm:s3], $0xF7A  }
0x26: {  	[smem:$0x3F98] =	sst s1;
	(tag) =	ssettag s2;
	_ =	strace s9  }
0x27: {  	s1 =	sld [smem:$0x3FA8]  }
0x28: {  	s2 =	sld [smem:$0x3FA9]  }
0x29: {  	s4 =	sld [smem:$0x3FAB]  }
0x2a: {  	p0 =	seq.s32 s5, $0x0;
	s5 =	sld [smem:$0x3FAC]  }
0x2b: {  	s6 =	sld [smem:$0x3FAD]  }
0x2c: {  	s7 =	sld [smem:$0x3FAE]  }
0x2d: {  	s3 =	simm.s32 $0x108;
	s8 =	sld [smem:$0x3FAF]  }
0x2e: {  	s3 =	simm.s32 @!p0 $0x1082;
	s9 =	sld [smem:$0x3FB0]  }
0x2f: {  	lr =	sadd.s32 s0, s3;
	s0 =	sld [smem:$0x3FA7]  }
0x30: {  	s3 =	sld [smem:$0x3FAA]  }
0x31: {  	[smem:$0x3FB3] =	sst s10  }
0x32: {  	s10 =	sld [smem:$0x3FB1];
	_ =	sdelay $0x3  }
0x33: {  	p0 =	seq.s32 s10, $0x1;
	s10 =	sld [smem:$0x3FB3];
	_ =	sdelay $0x3  }
0x34: {  	[smem:$0x3FB3] =	sst s10  }
0x35: {  	s10 =	sld [smem:$0x3FB2];
	_ =	sdelay $0x3  }
0x36: {  	p1 =	seq.s32 s10, $0x1;
	s10 =	sld [smem:$0x3FB3];
	_ =	sdelay $0x3  }
0x37: {  	[smem:$0x3FB3] =	sst s10  }
0x38: {  	s10 =	sld [smem:$0x3FB4]  }
0x39: {  	_ = 	snop;
	(pc) =	sbr.ind lr, $3  }
0x3a: {  	_ = 	snop  }
0x3b: {  	_ = 	snop  }
0x3c: {  	p2 =	seq.s32 s10, $0x1;
	s10 =	sld [smem:$0x3FB3]  }
0x3d: {  	_ =	shalt  }
0x3e: {  	_ =	shalt  }
0x3f: {  	_ =	shalt  }
0x40: {  	_ =	shalt  }
0x41: {  	_ =	shalt  }
0x42: {  	_ =	shalt  }
0x43: {  	_ =	shalt  }
0x44: {  	_ =	shalt  }
0x45: {  	_ =	shalt  }
0x46: {  	_ =	shalt  }
0x47: {  	_ =	shalt  }
0x48: {  	_ =	shalt  }
0x49: {  	_ =	shalt  }
0x4a: {  	_ =	shalt  }
0x4b: {  	_ =	shalt  }
0x4c: {  	_ =	shalt  }
0x4d: {  	_ =	shalt  }
0x4e: {  	_ =	shalt  }
0x4f: {  	_ =	shalt  }
0x50: {  	_ =	shalt  }
0x51: {  	_ =	shalt  }
0x52: {  	_ =	shalt  }
0x53: {  	_ =	shalt  }
0x54: {  	_ =	shalt  }
0x55: {  	_ =	shalt  }
0x56: {  	_ =	shalt  }
0x57: {  	_ =	shalt  }
0x58: {  	_ =	shalt  }
0x59: {  	_ =	shalt  }
0x5a: {  	_ =	shalt  }
0x5b: {  	_ =	shalt  }
0x5c: {  	_ =	shalt  }
0x5d: {  	_ =	shalt  }
0x5e: {  	_ =	shalt  }
0x5f: {  	_ =	shalt  }
0x60: {  	_ =	shalt  }
0x61: {  	_ =	shalt  }
0x62: {  	_ =	shalt  }
0x63: {  	_ =	shalt  }
0x64: {  	_ =	shalt  }
0x65: {  	_ =	shalt  }
0x66: {  	_ =	shalt  }
0x67: {  	_ =	shalt  }
0x68: {  	_ =	shalt  }
0x69: {  	_ =	shalt  }
0x6a: {  	_ =	shalt  }
0x6b: {  	_ =	shalt  }
0x6c: {  	_ =	shalt  }
0x6d: {  	_ =	shalt  }
0x6e: {  	_ =	shalt  }
0x6f: {  	_ =	shalt  }
0x70: {  	_ =	shalt  }
0x71: {  	_ =	shalt  }
0x72: {  	_ =	shalt  }
0x73: {  	_ =	shalt  }
0x74: {  	_ =	shalt  }
0x75: {  	_ =	shalt  }
0x76: {  	_ =	shalt  }
0x77: {  	_ =	shalt  }
0x78: {  	_ =	shalt  }
0x79: {  	_ =	shalt  }
0x7a: {  	_ =	shalt  }
0x7b: {  	_ =	shalt  }
0x7c: {  	_ =	shalt  }
0x7d: {  	_ =	shalt  }
0x7e: {  	_ =	shalt  }
0x7f: {  	_ =	shalt  }
0x80: {  	_ =	shalt  }
0x81: {  	_ =	shalt  }
0x82: {  	_ =	shalt  }
0x83: {  	_ =	shalt  }
0x84: {  	_ =	shalt  }
0x85: {  	_ =	shalt  }
0x86: {  	_ =	shalt  }
0x87: {  	_ =	shalt  }
.Lfunc_end0:
.L_simem_size_0:
called_computation_lowered:
.L_overlay_start_0:
0x88: {  	s2 =	sld [smem:$0x3FD9]  }
0x89: {  	s3 =	sld [smem:$0x3FFE];
	_ =	sdelay $0x1  }
0x8a: {  	s1 =	srdreg.scid  }
0x8b: {  	s0 =	sand.u32 $0x1, s1  }
0x8c: {  	s17 =	sshll.u32 s0, $0xA;
	s2 =	sadd.s32 s3, s2  }
0x8d: {  	s2 =	sadd.s32 s2, s17  }
0x8e: {  	[smem:$0x3FBF] =	sst s2  }
0x8f: {  	_ = 	snop  }
0x90: {  	s2 =	sld [smem:$0x3FC9];
	(tm) =	ssettm $0x1  }
0x91: {  	s18 =	sld [smem:$0x3FFB];
	_ =	sdelay $0x3  }
0x92: {  	_ =	strace s18  }
0x93: {  	s3 =	sld [smem:$0x3FFC];
	_ =	sdelay $0x3  }
0x94: {  	_ =	strace s3  }
0x95: {  	s3 =	sld [smem:$0x3FFD];
	_ =	sdelay $0x3  }
0x96: {  	_ =	strace s3  }
0x97: {  	_ =	strace $0x8FFFFFFF  }
0x98: {  	s19 =	sld [smem:$0x3FDB];
	_ =	sdelay $0x1  }
0x99: {  	s4 =	simm.s32 $_scs_section_size  }
0x9a: {  	s5 =	simm.s32 $_size__tile_overlayer_lowered;
	s6 =	simm.s32 $_tile_overlayer_lowered  }
0x9b: {  	s22 =	simm.s32 $0x1BFF;
	s21 =	sshll.u32 s6, $0x1;
	s3 =	sadd.s32 s4, s19  }
0x9c: {  	s7 =	simm.s32 $0x0;
	s20 =	sshll.u32 s5, $0x1;
	s5 =	sadd.s32 s21, s3  }
0x9d: {  	[timem:s7], [sflag:s22] =	dma.local [hbm:s5], s20  }
0x9e: {  	_ =	swait.ge [sflag:s22], s20  }
0x9f: {  	s4 =	ssub.s32 $0x0, s20;
	[sflag:s22] =	ssyncset.done $0x0  }
0xa0: {  	[sflag:s22] =	ssyncadd.s32 s4;
	_ =	sdelay $0x1  }
0xa1: {  	s23 =	simm.s32 $0x1B8B  }
0xa2: {  	_ =	swait.ge [sflag:s23], $0x1  }
0xa3: {  	[sflag:s23] =	ssyncset.done $0x0  }
0xa4: {  	s25 =	simm.s32 $0x1B8E;
	s24 =	sld [smem:$0x3FFE];
	[sflag:s23] =	ssyncadd.s32 $0xFFFFFFFF  }
0xa5: {  	s26 =	simm.s32 $execute0_lowered;
	[smem:$0x3FD2] =	sst s25  }
0xa6: {  	s5 =	sshll.u32 s26, $0x1;
	_ =	strace $0x80000046;
	[dreg:$0x1] =	wrdreg $0xFFFFFFFF  }
0xa7: {  	s28 =	simm.s32 $_size_execute0_lowered;
	s3 =	sadd.s32 s3, s5;
	[dreg:$0x0] =	wrdreg $0x0  }
0xa8: {  	s5 =	sshll.u32 s28, $0x1;
	[dreg:$0x2] =	wrdreg s3  }
0xa9: {  	[dreg:$0x3] =	wrdreg s5  }
0xaa: {  	[dreg:$0x4] =	wrdreg $0xC0  }
0xab: {  	_ =	task [dreg:s7], $0x5FFFF  }
0xac: {  	[dreg:$0x1] =	wrdreg $0xFFFFFFFF  }
0xad: {  	[dreg:$0x0] =	wrdreg $0x60  }
0xae: {  	[dreg:$0x2] =	wrdreg s2  }
0xaf: {  	[dreg:$0x3] =	wrdreg s24  }
0xb0: {  	[dreg:$0x4] =	wrdreg $0xAE200  }
0xb1: {  	[dreg:$0x5] =	wrdreg $0x9  }
0xb2: {  	_ =	task.clear_ibuf [dreg:s7], $0x6FFFF;
	_ =	strace $0x90000046  }
0xb3: {  	s29 =	simm.s32 $0x9;
	_ =	strace $0x80000048  }
0xb4: {  	_ =	swait.ge [sflag:s29], $0x1  }
0xb5: {  	[sflag:s29] =	ssyncadd.s32 $0xFFFFFFFF  }
0xb6: {  	_ =	strace $0x90000048  }
0xb7: {  	_ =	sfence  }
0xb8: {  	s30 =	sld [smem:$0x0];
	_ =	sdelay $0x2  }
0xb9: {  	s31 =	sshll.u32 s1, $0xD;
	s1 =	sshrl.u32 s1, $0x2  }
0xba: {  	s3 =	sand.u32 $0x4000, s31;
	s1 =	sadd.s32 s1, s30  }
0xbb: {  	s0 =	sor.u32 s3, s0;
	s1 =	sshll.u32 s1, $0x11  }
0xbc: {  	s0 =	sor.u32 s1, s0  }
0xbd: {  	s0 =	sadd.s32 $0x8F2B, s0  }
0xbe: {  	[sflag:s0] =	ssyncadd.remote.s32 $0x1  }
0xbf: {  	_ =	sfence.sel $0xFFFF  }
0xc0: {  	[dreg:$0x0] =	wrdreg $0xFFFFFFFF;
	(pc) =	sbr.abs _section_cstart, $3  }
0xc1: {  	[dreg:$0x1] =	wrdreg $0xFFFFFFFF  }
0xc2: {  	_ =	task.clear_ibuf [dreg:s7], $0x2FFFF;
	_ =	strace $0x9FFFFFFF  }
0xc3: {  	(tm) =	ssettm $0x7FFFFFFF  }
tec
execute0_lowered:
.L_overlay_start_1:
0x0: {  	(tag) =	ssettag $0x1  }
0x1: {  	s1 =	rddreg [dreg:$0x0]  }
0x2: {  	s0 =	rddreg [dreg:$0x1]  }
0x3: {  	s3 =	rddreg [dreg:$0x2]  }
0x4: {  	s6 =	simm.s32 $0x0;
	s2 =	srdreg.scid;
	s7 =	stileid.u32  }
0x5: {  	s31 =	simm.s32 $0x9E20;
	s30 =	simm.s32 $0x2;
	s9 =	simm.s32 $0x0  }
0x6: {  	s2 =	sand.u32 $0x1, s2;
	s4 =	sshll.u32 s7, $0x1;
	s5 =	smul.u32 $0x14000, s7  }
0x7: {  	[smem:$0x7FF] =	sst s6;
	s7 =	smul.u32 $0x50000, s7;
	s4 =	sor.u32 s2, s4  }
0x8: {  	s11 =	smul.u32 $0x140000, s2;
	_ =	strace $0x80000047;
	s2 =	ssub.s32 $0x2, s2  }
0x9: {  	s4 =	smul.u32 $0x4E2, s4;
	s8 =	sshrl.u32 s2, $0x1;
	s12 =	sshrl.u32 s7, $0x2  }
0xa: {  	s7 =	sadd.s32 s5, s3;
	s6 =	sadd.s32 s5, s11;
	s2 =	ssub.s32 s2, s8  }
0xb: {  	s14 =	sadd.s32 s12, s3;
	s5 =	simm.s32 $0x4E20;
	s8 =	simm.s32 $0x4  }
0xc: {  	s4 =	sadd.s32 s4, s0;
	s6 =	sshrl.u32 s6, $0x3;
	s20 =	sadd.s32 $0x1000, s14  }
0xd: {  	s21 =	sadd.s32 $0x2000, s14;
	s22 =	sadd.s32 $0x3000, s14;
	s23 =	sadd.s32 $0x4000, s14  }
0xe: {  	s24 =	sadd.s32 $0x5000, s14;
	s25 =	sadd.s32 $0x6000, s14;
	[dreg:$0x6] =	wrdreg s20  }
0xf: {  	s26 =	sadd.s32 $0x7000, s14;
	s15 =	sadd.s32 $0x8000, s14;
	[dreg:$0x7] =	wrdreg s21  }
0x10: {  	s16 =	sadd.s32 $0x9000, s14;
	s17 =	sadd.s32 $0xA000, s14;
	[dreg:$0x8] =	wrdreg s22  }
0x11: {  	s18 =	sadd.s32 $0xB000, s14;
	s19 =	sadd.s32 $0xC000, s14;
	[dreg:$0x9] =	wrdreg s23  }
0x12: {  	s29 =	smax.u32 s2, $0x1;
	s2 =	simm.s32 $0x1;
	[dreg:$0xa] =	wrdreg s24  }
0x13: {  	s0 =	sadd.s32 s6, s0;
	s13 =	sadd.s32 $0xB000, s4;
	[dreg:$0xb] =	wrdreg s25  }
0x14: {  	s4 =	sadd.s32 $0x1200, s4;
	[dreg:$0xc] =	wrdreg s26;
	s20 =	sadd.s32 $0xD000, s14  }
0x15: {  	s21 =	sadd.s32 $0xE000, s14;
	s22 =	sadd.s32 $0xF000, s14;
	s23 =	sadd.s32 $0x10000, s14  }
0x16: {  	s24 =	sadd.s32 $0x11000, s14;
	s25 =	sadd.s32 $0x12000, s14;
	[dreg:$0x4] =	wrdreg s13  }
0x17: {  	s26 =	sadd.s32 $0x13000, s14;
	s6 =	simm.s32 $0x7620;
	[dreg:$0x5] =	wrdreg s4  }
0x18: {  	v0 =	vimm.f32 $0.0e+00;
	s28 =	sadd.s32 $0x14E00, s0;
	s0 =	simm.s32 $0x3;
	s4 =	simm.s32 $0x50  }
.LBB2_1:
0x19: {  	s10 =	simm.s32 $0x0;
	s11 =	rddreg [dreg:$0x4]  }
0x1a: {  	[tilespmem:s10], [sflag:$0x1] =	stream.linear.gather [hbm4b:s11+s10], $0x2710, $0x38;
	[tilespmem:$0x1EE20] =	vst v63  }
0x1b: {  	s14 =	rddreg [dreg:$0x5];
	s12 =	simm.s32 $0x2710  }
0x1c: {  	[tilespmem:s12], [sflag:$0x2] =	stream.linear.gather [hbm4b:s14+s10], $0x2710, $0x38;
	[tilespmem:$0x1EE20] =	vst v63  }
0x1d: {  	s11 =	simm.s32 $0x200;
	s10 =	simm.s32 $0x0  }
.LBB2_2:
0x1e: {  	p0 =	sne.s32 s11, $0x3E00;
	[tilespmem:s10+$0x9E90] =	vst v0  }
0x1f: {  	[tilespmem:s10+$0x9E20] =	vst v0  }
0x20: {  	[tilespmem:s10+$0x9E30] =	vst v0  }
.Ltmp0:
0x21: {  	[tilespmem:s10+$0x9E40] =	vst v0;
	(pc) =	sbr.rel @p0 .LBB2_2-.Ltmp0, $4  }
0x22: {  	[tilespmem:s10+$0x9E50] =	vst v0  }
0x23: {  	[tilespmem:s10+$0x9E60] =	vst v0  }
0x24: {  	[tilespmem:s10+$0x9E70] =	vst v0  }
0x25: {  	[tilespmem:s10+$0x9E80] =	vst v0;
	s10 =	sshra.s32 s11, $0x2;
	s11 =	sadd.s32 $0x200, s11  }
0x26: {  	[tilespmem:s10+$0x9E90] =	vst v0  }
0x27: {  	[tilespmem:s10+$0x9E20] =	vst v0  }
0x28: {  	[tilespmem:s10+$0x9E30] =	vst v0  }
0x29: {  	[tilespmem:s10+$0x9E40] =	vst v0  }
0x2a: {  	[tilespmem:s10+$0x9E50] =	vst v0  }
0x2b: {  	[tilespmem:s10+$0x9E60] =	vst v0  }
0x2c: {  	[tilespmem:s10+$0x9E70] =	vst v0  }
0x2d: {  	[tilespmem:s10+$0x9E80] =	vst v0  }
0x2e: {  	[spmem:s7] =	stream.linear.scatter [tilespmem:s31], [sflag:$0x3], $0x1000, $0x38;
	[tilespmem:$0x1EE20] =	vst v63  }
0x2f: {  	s11 =	rddreg [dreg:$0x6]  }
0x30: {  	[spmem:s11] =	stream.linear.scatter [tilespmem:s31], [sflag:$0x3], $0x1000, $0x38;
	[tilespmem:$0x1EE20] =	vst v63  }
0x31: {  	_ =	swait.ge [sflag:s0], $0x1000  }
0x32: {  	[sflag:s0] =	ssyncset.done $0x0  }
0x33: {  	s12 =	rddreg [dreg:$0x7];
	[sflag:s0] =	ssyncadd.s32 $0xFFFFF000  }
0x34: {  	[spmem:s12] =	stream.linear.scatter [tilespmem:s31], [sflag:$0x3], $0x1000, $0x38;
	[tilespmem:$0x1EE20] =	vst v63  }
0x35: {  	_ =	swait.ge [sflag:s0], $0x1000  }
0x36: {  	[sflag:s0] =	ssyncset.done $0x0  }
0x37: {  	s13 =	rddreg [dreg:$0x8];
	[sflag:s0] =	ssyncadd.s32 $0xFFFFF000  }
0x38: {  	[spmem:s13] =	stream.linear.scatter [tilespmem:s31], [sflag:$0x3], $0x1000, $0x38;
	[tilespmem:$0x1EE20] =	vst v63  }
0x39: {  	_ =	swait.ge [sflag:s0], $0x1000  }
0x3a: {  	[sflag:s0] =	ssyncset.done $0x0  }
0x3b: {  	s14 =	rddreg [dreg:$0x9];
	[sflag:s0] =	ssyncadd.s32 $0xFFFFF000  }
0x3c: {  	[spmem:s14] =	stream.linear.scatter [tilespmem:s31], [sflag:$0x3], $0x1000, $0x38;
	[tilespmem:$0x1EE20] =	vst v63  }
0x3d: {  	_ =	swait.ge [sflag:s0], $0x1000  }
0x3e: {  	[sflag:s0] =	ssyncset.done $0x0  }
0x3f: {  	s11 =	rddreg [dreg:$0xa];
	[sflag:s0] =	ssyncadd.s32 $0xFFFFF000  }
0x40: {  	[spmem:s11] =	stream.linear.scatter [tilespmem:s31], [sflag:$0x3], $0x1000, $0x38;
	[tilespmem:$0x1EE20] =	vst v63  }
0x41: {  	_ =	swait.ge [sflag:s0], $0x1000  }
0x42: {  	[sflag:s0] =	ssyncset.done $0x0  }
0x43: {  	s12 =	rddreg [dreg:$0xb];
	[sflag:s0] =	ssyncadd.s32 $0xFFFFF000  }
0x44: {  	[spmem:s12] =	stream.linear.scatter [tilespmem:s31], [sflag:$0x3], $0x1000, $0x38;
	[tilespmem:$0x1EE20] =	vst v63  }
0x45: {  	_ =	swait.ge [sflag:s0], $0x1000  }
0x46: {  	[sflag:s0] =	ssyncset.done $0x0  }
0x47: {  	s13 =	rddreg [dreg:$0xc];
	[sflag:s0] =	ssyncadd.s32 $0xFFFFF000  }
0x48: {  	[spmem:s13] =	stream.linear.scatter [tilespmem:s31], [sflag:$0x3], $0x1000, $0x38;
	[tilespmem:$0x1EE20] =	vst v63  }
0x49: {  	_ =	swait.ge [sflag:s0], $0x1000  }
0x4a: {  	[sflag:s0] =	ssyncset.done $0x0  }
0x4b: {  	[sflag:s0] =	ssyncadd.s32 $0xFFFFF000  }
0x4c: {  	[spmem:s15] =	stream.linear.scatter [tilespmem:s31], [sflag:$0x3], $0x1000, $0x38;
	[tilespmem:$0x1EE20] =	vst v63  }
0x4d: {  	_ =	swait.ge [sflag:s0], $0x1000  }
0x4e: {  	[sflag:s0] =	ssyncset.done $0x0  }
0x4f: {  	[sflag:s0] =	ssyncadd.s32 $0xFFFFF000  }
0x50: {  	[spmem:s16] =	stream.linear.scatter [tilespmem:s31], [sflag:$0x3], $0x1000, $0x38;
	[tilespmem:$0x1EE20] =	vst v63  }
0x51: {  	_ =	swait.ge [sflag:s0], $0x1000  }
0x52: {  	[sflag:s0] =	ssyncset.done $0x0  }
0x53: {  	[sflag:s0] =	ssyncadd.s32 $0xFFFFF000  }
0x54: {  	[spmem:s17] =	stream.linear.scatter [tilespmem:s31], [sflag:$0x3], $0x1000, $0x38;
	[tilespmem:$0x1EE20] =	vst v63  }
0x55: {  	_ =	swait.ge [sflag:s0], $0x1000  }
0x56: {  	[sflag:s0] =	ssyncset.done $0x0  }
0x57: {  	[sflag:s0] =	ssyncadd.s32 $0xFFFFF000  }
0x58: {  	[spmem:s18] =	stream.linear.scatter [tilespmem:s31], [sflag:$0x3], $0x1000, $0x38;
	[tilespmem:$0x1EE20] =	vst v63  }
0x59: {  	_ =	swait.ge [sflag:s0], $0x1000  }
0x5a: {  	[sflag:s0] =	ssyncset.done $0x0  }
0x5b: {  	[sflag:s0] =	ssyncadd.s32 $0xFFFFF000  }
0x5c: {  	[spmem:s19] =	stream.linear.scatter [tilespmem:s31], [sflag:$0x3], $0x1000, $0x38;
	[tilespmem:$0x1EE20] =	vst v63  }
0x5d: {  	_ =	swait.ge [sflag:s0], $0x1000  }
0x5e: {  	[sflag:s0] =	ssyncset.done $0x0  }
0x5f: {  	[sflag:s0] =	ssyncadd.s32 $0xFFFFF000  }
0x60: {  	[spmem:s20] =	stream.linear.scatter [tilespmem:s31], [sflag:$0x3], $0x1000, $0x38;
	[tilespmem:$0x1EE20] =	vst v63  }
0x61: {  	_ =	swait.ge [sflag:s0], $0x1000  }
0x62: {  	[sflag:s0] =	ssyncset.done $0x0  }
0x63: {  	[sflag:s0] =	ssyncadd.s32 $0xFFFFF000  }
0x64: {  	[spmem:s21] =	stream.linear.scatter [tilespmem:s31], [sflag:$0x3], $0x1000, $0x38;
	[tilespmem:$0x1EE20] =	vst v63  }
0x65: {  	_ =	swait.ge [sflag:s0], $0x1000  }
0x66: {  	[sflag:s0] =	ssyncset.done $0x0  }
0x67: {  	[sflag:s0] =	ssyncadd.s32 $0xFFFFF000  }
0x68: {  	[spmem:s22] =	stream.linear.scatter [tilespmem:s31], [sflag:$0x3], $0x1000, $0x38;
	[tilespmem:$0x1EE20] =	vst v63  }
0x69: {  	_ =	swait.ge [sflag:s0], $0x1000  }
0x6a: {  	[sflag:s0] =	ssyncset.done $0x0  }
0x6b: {  	[sflag:s0] =	ssyncadd.s32 $0xFFFFF000  }
0x6c: {  	[spmem:s23] =	stream.linear.scatter [tilespmem:s31], [sflag:$0x3], $0x1000, $0x38;
	[tilespmem:$0x1EE20] =	vst v63  }
0x6d: {  	_ =	swait.ge [sflag:s0], $0x1000  }
0x6e: {  	[sflag:s0] =	ssyncset.done $0x0  }
0x6f: {  	[sflag:s0] =	ssyncadd.s32 $0xFFFFF000  }
0x70: {  	[spmem:s24] =	stream.linear.scatter [tilespmem:s31], [sflag:$0x3], $0x1000, $0x38;
	[tilespmem:$0x1EE20] =	vst v63  }
0x71: {  	_ =	swait.ge [sflag:s0], $0x1000  }
0x72: {  	[sflag:s0] =	ssyncset.done $0x0  }
0x73: {  	[sflag:s0] =	ssyncadd.s32 $0xFFFFF000  }
0x74: {  	[spmem:s25] =	stream.linear.scatter [tilespmem:s31], [sflag:$0x3], $0x1000, $0x38;
	[tilespmem:$0x1EE20] =	vst v63  }
0x75: {  	_ =	swait.ge [sflag:s0], $0x1000  }
0x76: {  	[sflag:s0] =	ssyncset.done $0x0  }
0x77: {  	[sflag:s0] =	ssyncadd.s32 $0xFFFFF000  }
0x78: {  	[spmem:s26] =	stream.linear.scatter [tilespmem:s31], [sflag:$0x3], $0x1000, $0x38;
	[tilespmem:$0x1EE20] =	vst v63  }
0x79: {  	_ =	swait.ge [sflag:s0], $0x1000  }
0x7a: {  	[sflag:s0] =	ssyncset.done $0x0  }
0x7b: {  	[sflag:s0] =	ssyncadd.s32 $0xFFFFF000  }
0x7c: {  	_ =	swait.ge [sflag:s0], $0x1000  }
0x7d: {  	[sflag:s0] =	ssyncset.done $0x0  }
0x7e: {  	[sflag:s0] =	ssyncadd.s32 $0xFFFFF000  }
0x7f: {  	_ =	swait.ge [sflag:s2], $0x2710  }
0x80: {  	[sflag:s2] =	ssyncset.done $0x0  }
0x81: {  	[sflag:s2] =	ssyncadd.s32 $0xFFFFD8F0  }
0x82: {  	_ =	swait.ge [sflag:s30], $0x2710  }
0x83: {  	[sflag:s30] =	ssyncset.done $0x0  }
0x84: {  	[sflag:s30] =	ssyncadd.s32 $0xFFFFD8F0  }
0x85: {  	s14 =	simm.s32 $0x0;
	[bflag:$0x0] =	sbarrier.arrive $0xFFFF  }
0x86: {  	[tilespmem:s5], [sflag:$0x1] =	stream.indirect.gather [hbm4b:s1+s4], $0x80, s14, s4, $0xb8;
	[tilespmem:$0x1EE20] =	vst v63  }
0x87: {  	s11 =	simm.s32 $0x50  }
0x88: {  	[tilespmem:s6], [sflag:$0x2] =	stream.indirect.gather [hbm4b:s1+s4], $0x80, s11, s4, $0xb8;
	[tilespmem:$0x1EE20] =	vst v63  }
0x89: {  	_ =	swait.ge [sflag:s2], $0x2800  }
0x8a: {  	[sflag:s2] =	ssyncset.done $0x0  }
0x8b: {  	s12 =	simm.s32 $0x2710;
	[sflag:s2] =	ssyncadd.s32 $0xFFFFD800  }
0x8c: {  	[spmem:s3] =	stream.indirect.scatter.add.f32 [tilespmem:s5], [sflag:$0x4], $0x80, s12, s4, $0xb8;
	[tilespmem:$0x1EE20] =	vst v63  }
0x8d: {  	_ =	swait.ge [sflag:s8], $0x2800  }
0x8e: {  	[sflag:s8] =	ssyncset.done $0x0  }
0x8f: {  	s13 =	simm.s32 $0xA0;
	[sflag:s8] =	ssyncadd.s32 $0xFFFFD800  }
0x90: {  	[tilespmem:s5], [sflag:$0x1] =	stream.indirect.gather [hbm4b:s1+s4], $0x80, s13, s4, $0xb8;
	[tilespmem:$0x1EE20] =	vst v63  }
0x91: {  	_ =	swait.ge [sflag:s30], $0x2800  }
0x92: {  	[sflag:s30] =	ssyncset.done $0x0  }
0x93: {  	s14 =	simm.s32 $0x2760;
	[sflag:s30] =	ssyncadd.s32 $0xFFFFD800  }
0x94: {  	[spmem:s3] =	stream.indirect.scatter.add.f32 [tilespmem:s6], [sflag:$0x4], $0x80, s14, s4, $0xb8;
	[tilespmem:$0x1EE20] =	vst v63  }
0x95: {  	_ =	swait.ge [sflag:s8], $0x2800  }
0x96: {  	s10 =	simm.s32 $0xA0;
	s11 =	simm.s32 $0x500;
	[sflag:s8] =	ssyncset.done $0x0  }
.LBB2_4:
0x97: {  	s12 =	sadd.s32 $0x50, s10  }
0x98: {  	[sflag:s8] =	ssyncadd.s32 $0xFFFFD800;
	s13 =	smov.u32 s11;
	s14 =	sadd.s32 $0x280, s11  }
0x99: {  	[tilespmem:s6], [sflag:$0x2] =	stream.indirect.gather [hbm4b:s1+s4], $0x80, s12, s4, $0xb8;
	[tilespmem:$0x1EE20] =	vst v63  }
0x9a: {  	p0 =	sne.s32 s11, $0x9880;
	_ =	swait.ge [sflag:s2], $0x2800  }
0x9b: {  	[sflag:s2] =	ssyncset.done $0x0  }
0x9c: {  	s11 =	sadd.s32 $0x2710, s10;
	[sflag:s2] =	ssyncadd.s32 $0xFFFFD800  }
0x9d: {  	[spmem:s3] =	stream.indirect.scatter.add.f32 [tilespmem:s5], [sflag:$0x4], $0x80, s11, s4, $0xb8;
	[tilespmem:$0x1EE20] =	vst v63  }
0x9e: {  	_ =	swait.ge [sflag:s8], $0x2800  }
0x9f: {  	[sflag:s8] =	ssyncset.done $0x0  }
0xa0: {  	s11 =	sadd.s32 $0xA0, s10;
	[sflag:s8] =	ssyncadd.s32 $0xFFFFD800  }
0xa1: {  	[tilespmem:s5], [sflag:$0x1] =	stream.indirect.gather [hbm4b:s1+s4], $0x80, s11, s4, $0xb8;
	[tilespmem:$0x1EE20] =	vst v63  }
0xa2: {  	_ =	swait.ge [sflag:s30], $0x2800  }
.Ltmp1:
0xa3: {  	[sflag:s30] =	ssyncset.done $0x0;
	(pc) =	sbr.rel @p0 .LBB2_4-.Ltmp1, $4  }
0xa4: {  	s10 =	sadd.s32 $0x2760, s10;
	[sflag:s30] =	ssyncadd.s32 $0xFFFFD800  }
0xa5: {  	[spmem:s3] =	stream.indirect.scatter.add.f32 [tilespmem:s6], [sflag:$0x4], $0x80, s10, s4, $0xb8;
	[tilespmem:$0x1EE20] =	vst v63  }
0xa6: {  	_ =	swait.ge [sflag:s8], $0x2800  }
0xa7: {  	s11 =	smov.u32 s14;
	s10 =	sshra.s32 s13, $0x2;
	[sflag:s8] =	ssyncset.done $0x0  }
0xa8: {  	s11 =	sadd.s32 $0x50, s10;
	[sflag:s8] =	ssyncadd.s32 $0xFFFFD800  }
0xa9: {  	[tilespmem:s6], [sflag:$0x2] =	stream.indirect.gather [hbm4b:s1+s4], $0x80, s11, s4, $0xb8;
	[tilespmem:$0x1EE20] =	vst v63  }
0xaa: {  	_ =	swait.ge [sflag:s2], $0x2800  }
0xab: {  	[sflag:s2] =	ssyncset.done $0x0  }
0xac: {  	s13 =	sadd.s32 $0x2710, s10;
	[sflag:s2] =	ssyncadd.s32 $0xFFFFD800  }
0xad: {  	[spmem:s3] =	stream.indirect.scatter.add.f32 [tilespmem:s5], [sflag:$0x4], $0x80, s13, s4, $0xb8;
	[tilespmem:$0x1EE20] =	vst v63  }
0xae: {  	_ =	swait.ge [sflag:s8], $0x2800  }
0xaf: {  	[sflag:s8] =	ssyncset.done $0x0  }
0xb0: {  	s14 =	sadd.s32 $0xA0, s10;
	[sflag:s8] =	ssyncadd.s32 $0xFFFFD800  }
0xb1: {  	[tilespmem:s5], [sflag:$0x1] =	stream.indirect.gather [hbm4b:s1+s4], $0x80, s14, s4, $0xb8;
	[tilespmem:$0x1EE20] =	vst v63  }
0xb2: {  	_ =	swait.ge [sflag:s30], $0x2800  }
0xb3: {  	[sflag:s30] =	ssyncset.done $0x0  }
0xb4: {  	s11 =	sadd.s32 $0x2760, s10;
	[sflag:s30] =	ssyncadd.s32 $0xFFFFD800  }
0xb5: {  	[spmem:s3] =	stream.indirect.scatter.add.f32 [tilespmem:s6], [sflag:$0x4], $0x80, s11, s4, $0xb8;
	[tilespmem:$0x1EE20] =	vst v63  }
0xb6: {  	_ =	swait.ge [sflag:s8], $0x2800  }
0xb7: {  	[sflag:s8] =	ssyncset.done $0x0  }
0xb8: {  	[sflag:s8] =	ssyncadd.s32 $0xFFFFD800  }
0xb9: {  	_ =	swait.ge [sflag:s2], $0x2800  }
0xba: {  	[sflag:s2] =	ssyncset.done $0x0  }
0xbb: {  	s12 =	simm.s32 $0x4DD0;
	[sflag:s2] =	ssyncadd.s32 $0xFFFFD800  }
0xbc: {  	[spmem:s3] =	stream.indirect.scatter.add.f32 [tilespmem:s5], [sflag:$0x4], $0x80, s12, s4, $0xb8;
	[tilespmem:$0x1EE20] =	vst v63  }
0xbd: {  	s13 =	stileid.u32;
	_ =	swait.ge [sflag:s8], $0x2800  }
0xbe: {  	s9 =	sadd.s32 $0x1, s9;
	s10 =	sshll.u32 s13, $0x6;
	[sflag:s8] =	ssyncset.done $0x0  }
0xbf: {  	p0 =	sne.s32 s9, s29;
	s10 =	sor.u32 $0x1C04, s10;
	[sflag:s8] =	ssyncadd.s32 $0xFFFFD800  }
.Ltmp2:
0xc0: {  	s14 =	sshrl.u32 s7, $0x3;
	[bflag:$0x0] =	sbarrier.arrive $0xFFFF;
	(pc) =	sbr.rel @p0 .LBB2_1-.Ltmp2, $4  }
0xc1: {  	[hbm:s28], [sflag:s10] =	dma.local [spmem:s14], $0x2800  }
0xc2: {  	_ =	swait.ge [sflag:s8], $0x2800  }
0xc3: {  	[sflag:s8] =	ssyncset.done $0x0  }
0xc4: {  	[sflag:s8] =	ssyncadd.s32 $0xFFFFD800  }
0xc5: {  	_ =	sfence.sel $0x180000  }
0xc6: {  	[bflag:$0x0] =	sbarrier.arrive $0xFFFF  }
0xc7: {  	_ =	strace $0x90000047  }
0xc8: {  	s0 =	stileid.u32;
	[bflag:$0x2] =	sbarrier.arrive $0xFFFF  }
0xc9: {  	p0 =	sne.s32 s0, $0x0;
	s0 =	rddreg [dreg:$0x3]  }
0xca: {  	s0 =	sadd.s32 @!p0 $0x100000, s0  }
0xcb: {  	[sflag:s0] =	ssyncadd.tile.s32 @!p0 $0x1;
	_ =	shalt  }
.Lfunc_end2:
_tile_overlayer_lowered:
.L_overlay_start_2:
0xcc: {  	(tag) =	ssettag $0x2  }
0xcd: {  	s0 =	rddreg [dreg:$0x0];
	s2 =	stileid.u32  }
0xce: {  	s1 =	rddreg [dreg:$0x1];
	p0 =	sne.s32 s2, $0x0  }
0xcf: {  	s3 =	rddreg [dreg:$0x2];
	[bflag:$0x3] =	sbarrier.arrive $0xFFFF;
	s2 =	simm.s32 @!p0 $0x1C04  }
0xd0: {  	[timem:s3], [sflag:s2] =	dma.local @!p0 [hbm:s0], s1  }
0xd1: {  	s0 =	simm.s32 @!p0 $0x4  }
0xd2: {  	_ =	swait.ge @!p0 [sflag:s0], s1  }
0xd3: {  	s1 =	ssub.s32 @!p0 $0x0, s1;
	[sflag:s0] =	ssyncset.done @!p0 $0x0  }
0xd4: {  	[sflag:s0] =	ssyncadd.s32 @!p0 s1  }
0xd5: {  	[bflag:$0x3] =	sbarrier.arrive $0xFFFF  }
0xd6: {  	_ =	shalt  }

// kernel: kernel.9.cloned.1.call-start
scs
__scs_entry_jumppad:
0x0: {  	(pc) =	sbr.rel $0x88, $3  }
0x1: {  	(tag) =	ssettag $0x0;
	lr =	simm.s32 $0x1  }
0x2: {  	[smem:$0x3F98] =	sst lr;
	_ =	strace $0xD0000000  }
0x3: {  	_ = 	snop  }
0x4: {  	_ = 	snop  }
0x5: {  	_ = 	snop  }
0x6: {  	_ = 	snop  }
0x7: {  	_ = 	snop  }
__scs_overlays_trampoline_lowered:
0x8: {  	[smem:$0x3FA7] =	sst s0  }
0x9: {  	[smem:$0x3FA8] =	sst s1  }
0xa: {  	[smem:$0x3FA9] =	sst s2  }
0xb: {  	[smem:$0x3FAA] =	sst s3  }
0xc: {  	[smem:$0x3FAB] =	sst s4  }
0xd: {  	[smem:$0x3FAC] =	sst s5  }
0xe: {  	[smem:$0x3FAD] =	sst s6  }
0xf: {  	[smem:$0x3FAE] =	sst s7  }
0x10: {  	[smem:$0x3FAF] =	sst s8  }
0x11: {  	[smem:$0x3FB0] =	sst s9;
	s0 =	simm.s32 @!p0 $0x0  }
0x12: {  	s1 =	sld [smem:$0x3F96];
	s0 =	simm.s32 @p0 $0x1  }
0x13: {  	[smem:$0x3FB1] =	sst s0;
	s0 =	simm.s32 @!p1 $0x0  }
0x14: {  	s2 =	sld [smem:$0x3F95];
	s0 =	simm.s32 @p1 $0x1  }
0x15: {  	[smem:$0x3FB2] =	sst s0;
	s0 =	simm.s32 @!p2 $0x0  }
0x16: {  	s3 =	sld [smem:$0x3FDB];
	s0 =	simm.s32 @p2 $0x1  }
0x17: {  	s4 =	simm.s32 $0x1BF5;
	[smem:$0x3FB4] =	sst s0  }
0x18: {  	s0 =	sld [smem:$0x3F97];
	_ =	swait.ge [sflag:s4], $0x0  }
0x19: {  	s7 =	sld [smem:$0x3F98]  }
0x1a: {  	s8 =	sadd.s32 $0xFFFFE003, lr  }
0x1b: {  	s9 =	sadd.s32 $0xFFFFFEF7, lr;
	s5 =	simm.s32 $0xFFFFFFFF;
	p2 =	slt.u32 s8, $0xFFFFF086  }
0x1c: {  	p1 =	slt.u32 s9, $0xF7A;
	s5 =	simm.s32 @!p2 $0x0  }
0x1d: {  	s5 =	simm.s32 @p1 $0x1;
	p0 =	seq.s32 s7, s2  }
0x1e: {  	s7 =	smul.u32 @!p0 $0xF7A, s2;
	p2 =	seq.s32 @!p0 s5, $0x0  }
0x1f: {  	s9 =	smul.u32 $0xF7A, s1;
	s8 =	simm.s32 @!p0 $0x1BF5;
	p2 =	por !p2, p0  }
0x20: {  	[sflag:s8] =	ssyncset.s32 @!p0 $0xFFFFF086;
	s6 =	sadd.s32 @!p0 s3, s7;
	s7 =	simm.s32 @!p0 $0x108  }
0x21: {  	s3 =	sadd.s32 s3, s9;
	s6 =	sadd.s32 @!p0 $0x88, s6;
	s7 =	simm.s32 @p2 $0x1082  }
0x22: {  	[simem:s7], [sflag:s8] =	dma.local @!p0 [hbm:s6], $0xF7A  }
0x23: {  	s9 =	sor.u32 $0xD0000000, s2;
	s6 =	simm.s32 $0x108;
	_ =	swait.ge @!p0 [sflag:s8], $0x0  }
0x24: {  	s3 =	sadd.s32 $0x88, s3;
	s6 =	simm.s32 @!p1 $0x1082;
	[sflag:s4] =	ssyncset.s32 $0xFFFFF086  }
0x25: {  	[simem:s6], [sflag:s4] =	dma.local [hbm:s3], $0xF7A  }
0x26: {  	[smem:$0x3F98] =	sst s1;
	(tag) =	ssettag s2;
	_ =	strace s9  }
0x27: {  	s1 =	sld [smem:$0x3FA8]  }
0x28: {  	s2 =	sld [smem:$0x3FA9]  }
0x29: {  	s4 =	sld [smem:$0x3FAB]  }
0x2a: {  	p0 =	seq.s32 s5, $0x0;
	s5 =	sld [smem:$0x3FAC]  }
0x2b: {  	s6 =	sld [smem:$0x3FAD]  }
0x2c: {  	s7 =	sld [smem:$0x3FAE]  }
0x2d: {  	s3 =	simm.s32 $0x108;
	s8 =	sld [smem:$0x3FAF]  }
0x2e: {  	s3 =	simm.s32 @!p0 $0x1082;
	s9 =	sld [smem:$0x3FB0]  }
0x2f: {  	lr =	sadd.s32 s0, s3;
	s0 =	sld [smem:$0x3FA7]  }
0x30: {  	s3 =	sld [smem:$0x3FAA]  }
0x31: {  	[smem:$0x3FB3] =	sst s10  }
0x32: {  	s10 =	sld [smem:$0x3FB1];
	_ =	sdelay $0x3  }
0x33: {  	p0 =	seq.s32 s10, $0x1;
	s10 =	sld [smem:$0x3FB3];
	_ =	sdelay $0x3  }
0x34: {  	[smem:$0x3FB3] =	sst s10  }
0x35: {  	s10 =	sld [smem:$0x3FB2];
	_ =	sdelay $0x3  }
0x36: {  	p1 =	seq.s32 s10, $0x1;
	s10 =	sld [smem:$0x3FB3];
	_ =	sdelay $0x3  }
0x37: {  	[smem:$0x3FB3] =	sst s10  }
0x38: {  	s10 =	sld [smem:$0x3FB4]  }
0x39: {  	_ = 	snop;
	(pc) =	sbr.ind lr, $3  }
0x3a: {  	_ = 	snop  }
0x3b: {  	_ = 	snop  }
0x3c: {  	p2 =	seq.s32 s10, $0x1;
	s10 =	sld [smem:$0x3FB3]  }
0x3d: {  	_ =	shalt  }
0x3e: {  	_ =	shalt  }
0x3f: {  	_ =	shalt  }
0x40: {  	_ =	shalt  }
0x41: {  	_ =	shalt  }
0x42: {  	_ =	shalt  }
0x43: {  	_ =	shalt  }
0x44: {  	_ =	shalt  }
0x45: {  	_ =	shalt  }
0x46: {  	_ =	shalt  }
0x47: {  	_ =	shalt  }
0x48: {  	_ =	shalt  }
0x49: {  	_ =	shalt  }
0x4a: {  	_ =	shalt  }
0x4b: {  	_ =	shalt  }
0x4c: {  	_ =	shalt  }
0x4d: {  	_ =	shalt  }
0x4e: {  	_ =	shalt  }
0x4f: {  	_ =	shalt  }
0x50: {  	_ =	shalt  }
0x51: {  	_ =	shalt  }
0x52: {  	_ =	shalt  }
0x53: {  	_ =	shalt  }
0x54: {  	_ =	shalt  }
0x55: {  	_ =	shalt  }
0x56: {  	_ =	shalt  }
0x57: {  	_ =	shalt  }
0x58: {  	_ =	shalt  }
0x59: {  	_ =	shalt  }
0x5a: {  	_ =	shalt  }
0x5b: {  	_ =	shalt  }
0x5c: {  	_ =	shalt  }
0x5d: {  	_ =	shalt  }
0x5e: {  	_ =	shalt  }
0x5f: {  	_ =	shalt  }
0x60: {  	_ =	shalt  }
0x61: {  	_ =	shalt  }
0x62: {  	_ =	shalt  }
0x63: {  	_ =	shalt  }
0x64: {  	_ =	shalt  }
0x65: {  	_ =	shalt  }
0x66: {  	_ =	shalt  }
0x67: {  	_ =	shalt  }
0x68: {  	_ =	shalt  }
0x69: {  	_ =	shalt  }
0x6a: {  	_ =	shalt  }
0x6b: {  	_ =	shalt  }
0x6c: {  	_ =	shalt  }
0x6d: {  	_ =	shalt  }
0x6e: {  	_ =	shalt  }
0x6f: {  	_ =	shalt  }
0x70: {  	_ =	shalt  }
0x71: {  	_ =	shalt  }
0x72: {  	_ =	shalt  }
0x73: {  	_ =	shalt  }
0x74: {  	_ =	shalt  }
0x75: {  	_ =	shalt  }
0x76: {  	_ =	shalt  }
0x77: {  	_ =	shalt  }
0x78: {  	_ =	shalt  }
0x79: {  	_ =	shalt  }
0x7a: {  	_ =	shalt  }
0x7b: {  	_ =	shalt  }
0x7c: {  	_ =	shalt  }
0x7d: {  	_ =	shalt  }
0x7e: {  	_ =	shalt  }
0x7f: {  	_ =	shalt  }
0x80: {  	_ =	shalt  }
0x81: {  	_ =	shalt  }
0x82: {  	_ =	shalt  }
0x83: {  	_ =	shalt  }
0x84: {  	_ =	shalt  }
0x85: {  	_ =	shalt  }
0x86: {  	_ =	shalt  }
0x87: {  	_ =	shalt  }
.Lfunc_end0:
.L_simem_size_0:
called_computation.1_lowered:
.L_overlay_start_0:
0x88: {  	s2 =	sld [smem:$0x3FD9]  }
0x89: {  	s3 =	sld [smem:$0x3FFE];
	_ =	sdelay $0x1  }
0x8a: {  	s1 =	srdreg.scid  }
0x8b: {  	s0 =	sand.u32 $0x1, s1  }
0x8c: {  	s16 =	sshll.u32 s0, $0xA;
	s2 =	sadd.s32 s3, s2  }
0x8d: {  	s2 =	sadd.s32 s2, s16  }
0x8e: {  	[smem:$0x3FBF] =	sst s2  }
0x8f: {  	_ = 	snop  }
0x90: {  	(tm) =	ssettm $0x1  }
0x91: {  	s17 =	sld [smem:$0x3FFB];
	_ =	sdelay $0x3  }
0x92: {  	_ =	strace s17  }
0x93: {  	s2 =	sld [smem:$0x3FFC];
	_ =	sdelay $0x3  }
0x94: {  	_ =	strace s2  }
0x95: {  	s2 =	sld [smem:$0x3FFD];
	_ =	sdelay $0x3  }
0x96: {  	_ =	strace s2  }
0x97: {  	_ =	strace $0x8FFFFFFF  }
0x98: {  	s18 =	sld [smem:$0x3FDB];
	_ =	sdelay $0x1  }
0x99: {  	s19 =	simm.s32 $_scs_section_size  }
0x9a: {  	s4 =	simm.s32 $_size__tile_overlayer_lowered;
	s5 =	simm.s32 $_tile_overlayer_lowered  }
0x9b: {  	s22 =	simm.s32 $0x1BFF;
	s21 =	sshll.u32 s5, $0x1;
	s2 =	sadd.s32 s19, s18  }
0x9c: {  	s6 =	simm.s32 $0x0;
	s20 =	sshll.u32 s4, $0x1;
	s4 =	sadd.s32 s21, s2  }
0x9d: {  	[timem:s6], [sflag:s22] =	dma.local [hbm:s4], s20  }
0x9e: {  	_ =	swait.ge [sflag:s22], s20  }
0x9f: {  	s3 =	ssub.s32 $0x0, s20;
	[sflag:s22] =	ssyncset.done $0x0  }
0xa0: {  	[sflag:s22] =	ssyncadd.s32 s3;
	_ =	sdelay $0x1  }
0xa1: {  	s23 =	simm.s32 $0x1B8B  }
0xa2: {  	_ =	swait.ge [sflag:s23], $0x1  }
0xa3: {  	[sflag:s23] =	ssyncset.done $0x0  }
0xa4: {  	s25 =	simm.s32 $0x1B8E;
	s24 =	sld [smem:$0x3FFE];
	[sflag:s23] =	ssyncadd.s32 $0xFFFFFFFF  }
0xa5: {  	s26 =	simm.s32 $execute0_lowered;
	[smem:$0x3FD2] =	sst s25  }
0xa6: {  	s4 =	sshll.u32 s26, $0x1;
	_ =	strace $0x80000049;
	[dreg:$0x1] =	wrdreg $0xFFFFFFFF  }
0xa7: {  	s28 =	simm.s32 $_size_execute0_lowered;
	s2 =	sadd.s32 s2, s4;
	[dreg:$0x0] =	wrdreg $0x0  }
0xa8: {  	s4 =	sshll.u32 s28, $0x1;
	[dreg:$0x2] =	wrdreg s2  }
0xa9: {  	[dreg:$0x3] =	wrdreg s4  }
0xaa: {  	[dreg:$0x4] =	wrdreg $0xC0  }
0xab: {  	_ =	task [dreg:s6], $0x5FFFF  }
0xac: {  	[dreg:$0x1] =	wrdreg $0xFFFFFFFF  }
0xad: {  	[dreg:$0x0] =	wrdreg $0x60  }
0xae: {  	[dreg:$0x2] =	wrdreg s24  }
0xaf: {  	[dreg:$0x3] =	wrdreg $0xAE200  }
0xb0: {  	[dreg:$0x4] =	wrdreg $0x9  }
0xb1: {  	_ =	task.clear_ibuf [dreg:s6], $0x5FFFF;
	_ =	strace $0x90000049  }
0xb2: {  	s29 =	simm.s32 $0x9;
	_ =	strace $0x8000004B  }
0xb3: {  	_ =	swait.ge [sflag:s29], $0x1  }
0xb4: {  	[sflag:s29] =	ssyncadd.s32 $0xFFFFFFFF  }
0xb5: {  	_ =	strace $0x9000004B  }
0xb6: {  	_ =	sfence  }
0xb7: {  	s30 =	sld [smem:$0x0];
	_ =	sdelay $0x2  }
0xb8: {  	s31 =	sshll.u32 s1, $0xD;
	s1 =	sshrl.u32 s1, $0x2  }
0xb9: {  	s3 =	sand.u32 $0x4000, s31;
	s1 =	sadd.s32 s1, s30  }
0xba: {  	s0 =	sor.u32 s3, s0;
	s1 =	sshll.u32 s1, $0x11  }
0xbb: {  	s0 =	sor.u32 s1, s0  }
0xbc: {  	s0 =	sadd.s32 $0x8F2B, s0  }
0xbd: {  	[sflag:s0] =	ssyncadd.remote.s32 $0x1  }
0xbe: {  	_ =	sfence.sel $0xFFFF  }
0xbf: {  	[dreg:$0x0] =	wrdreg $0xFFFFFFFF;
	(pc) =	sbr.abs _section_cstart, $3  }
0xc0: {  	[dreg:$0x1] =	wrdreg $0xFFFFFFFF  }
0xc1: {  	_ =	task.clear_ibuf [dreg:s6], $0x2FFFF;
	_ =	strace $0x9FFFFFFF  }
0xc2: {  	(tm) =	ssettm $0x7FFFFFFF  }
0xc3: {  	_ =	shalt  }
tec
execute0_lowered:
.L_overlay_start_1:
0x0: {  	(tag) =	ssettag $0x1  }
0x1: {  	s0 =	rddreg [dreg:$0x0]  }
0x2: {  	s2 =	rddreg [dreg:$0x1];
	s4 =	simm.s32 $0x0  }
0x3: {  	s1 =	srdreg.scid;
	s7 =	stileid.u32;
	s31 =	simm.s32 $0x9E20  }
0x4: {  	s30 =	simm.s32 $0x2;
	s9 =	simm.s32 $0x0;
	s1 =	sand.u32 $0x1, s1  }
0x5: {  	s3 =	sshll.u32 s7, $0x1;
	s5 =	smul.u32 $0x14000, s7;
	[smem:$0x7FF] =	sst s4  }
0x6: {  	s4 =	sadd.s32 $0x14E00, s0;
	s7 =	smul.u32 $0x50000, s7;
	s3 =	sor.u32 s1, s3  }
0x7: {  	s6 =	smul.u32 $0x140000, s1;
	_ =	strace $0x8000004A;
	s1 =	ssub.s32 $0x2, s1  }
0x8: {  	s3 =	smul.u32 $0x4E2, s3;
	s8 =	sshrl.u32 s1, $0x1;
	s12 =	sshrl.u32 s7, $0x2  }
0x9: {  	s7 =	sadd.s32 s5, s2;
	s6 =	sadd.s32 s5, s6;
	s1 =	ssub.s32 s1, s8  }
0xa: {  	s14 =	sadd.s32 s12, s2;
	s5 =	simm.s32 $0x4E20;
	s8 =	simm.s32 $0x4  }
0xb: {  	s3 =	sadd.s32 s3, s0;
	s6 =	sshrl.u32 s6, $0x3;
	s20 =	sadd.s32 $0x1000, s14  }
0xc: {  	s21 =	sadd.s32 $0x2000, s14;
	s22 =	sadd.s32 $0x3000, s14;
	s23 =	sadd.s32 $0x4000, s14  }
0xd: {  	s24 =	sadd.s32 $0x5000, s14;
	s25 =	sadd.s32 $0x6000, s14;
	[dreg:$0x5] =	wrdreg s20  }
0xe: {  	s26 =	sadd.s32 $0x7000, s14;
	s15 =	sadd.s32 $0x8000, s14;
	[dreg:$0x6] =	wrdreg s21  }
0xf: {  	s16 =	sadd.s32 $0x9000, s14;
	s17 =	sadd.s32 $0xA000, s14;
	[dreg:$0x7] =	wrdreg s22  }
0x10: {  	s18 =	sadd.s32 $0xB000, s14;
	s19 =	sadd.s32 $0xC000, s14;
	[dreg:$0x8] =	wrdreg s23  }
0x11: {  	s29 =	smax.u32 s1, $0x1;
	s1 =	simm.s32 $0x1;
	[dreg:$0x9] =	wrdreg s24  }
0x12: {  	s0 =	sadd.s32 s6, s0;
	s13 =	sadd.s32 $0xB000, s3;
	[dreg:$0xa] =	wrdreg s25  }
0x13: {  	s3 =	sadd.s32 $0x1200, s3;
	[dreg:$0xb] =	wrdreg s26;
	s20 =	sadd.s32 $0xD000, s14  }
0x14: {  	s21 =	sadd.s32 $0xE000, s14;
	s22 =	sadd.s32 $0xF000, s14;
	s23 =	sadd.s32 $0x10000, s14  }
0x15: {  	s24 =	sadd.s32 $0x11000, s14;
	s25 =	sadd.s32 $0x12000, s14;
	[dreg:$0x3] =	wrdreg s13  }
0x16: {  	s26 =	sadd.s32 $0x13000, s14;
	s6 =	simm.s32 $0x7620;
	[dreg:$0x4] =	wrdreg s3  }
0x17: {  	v0 =	vimm.f32 $0.0e+00;
	s28 =	sadd.s32 $0x3C000, s0;
	s0 =	simm.s32 $0x3;
	s3 =	simm.s32 $0x50  }
.LBB2_1:
0x18: {  	s10 =	simm.s32 $0x0;
	s11 =	rddreg [dreg:$0x3]  }
0x19: {  	[tilespmem:s10], [sflag:$0x1] =	stream.linear.gather [hbm4b:s11+s10], $0x2710, $0x38;
	[tilespmem:$0x1EE20] =	vst v63  }
0x1a: {  	s14 =	rddreg [dreg:$0x4];
	s12 =	simm.s32 $0x2710  }
0x1b: {  	[tilespmem:s12], [sflag:$0x2] =	stream.linear.gather [hbm4b:s14+s10], $0x2710, $0x38;
	[tilespmem:$0x1EE20] =	vst v63  }
0x1c: {  	s11 =	simm.s32 $0x200;
	s10 =	simm.s32 $0x0  }
.LBB2_2:
0x1d: {  	p0 =	sne.s32 s11, $0x3E00;
	[tilespmem:s10+$0x9E90] =	vst v0  }
0x1e: {  	[tilespmem:s10+$0x9E20] =	vst v0  }
0x1f: {  	[tilespmem:s10+$0x9E30] =	vst v0  }
.Ltmp0:
0x20: {  	[tilespmem:s10+$0x9E40] =	vst v0;
	(pc) =	sbr.rel @p0 .LBB2_2-.Ltmp0, $4  }
0x21: {  	[tilespmem:s10+$0x9E50] =	vst v0  }
0x22: {  	[tilespmem:s10+$0x9E60] =	vst v0  }
0x23: {  	[tilespmem:s10+$0x9E70] =	vst v0  }
0x24: {  	[tilespmem:s10+$0x9E80] =	vst v0;
	s10 =	sshra.s32 s11, $0x2;
	s11 =	sadd.s32 $0x200, s11  }
0x25: {  	[tilespmem:s10+$0x9E90] =	vst v0  }
0x26: {  	[tilespmem:s10+$0x9E20] =	vst v0  }
0x27: {  	[tilespmem:s10+$0x9E30] =	vst v0  }
0x28: {  	[tilespmem:s10+$0x9E40] =	vst v0  }
0x29: {  	[tilespmem:s10+$0x9E50] =	vst v0  }
0x2a: {  	[tilespmem:s10+$0x9E60] =	vst v0  }
0x2b: {  	[tilespmem:s10+$0x9E70] =	vst v0  }
0x2c: {  	[tilespmem:s10+$0x9E80] =	vst v0  }
0x2d: {  	[spmem:s7] =	stream.linear.scatter [tilespmem:s31], [sflag:$0x3], $0x1000, $0x38;
	[tilespmem:$0x1EE20] =	vst v63  }
0x2e: {  	s11 =	rddreg [dreg:$0x5]  }
0x2f: {  	[spmem:s11] =	stream.linear.scatter [tilespmem:s31], [sflag:$0x3], $0x1000, $0x38;
	[tilespmem:$0x1EE20] =	vst v63  }
0x30: {  	_ =	swait.ge [sflag:s0], $0x1000  }
0x31: {  	[sflag:s0] =	ssyncset.done $0x0  }
0x32: {  	s12 =	rddreg [dreg:$0x6];
	[sflag:s0] =	ssyncadd.s32 $0xFFFFF000  }
0x33: {  	[spmem:s12] =	stream.linear.scatter [tilespmem:s31], [sflag:$0x3], $0x1000, $0x38;
	[tilespmem:$0x1EE20] =	vst v63  }
0x34: {  	_ =	swait.ge [sflag:s0], $0x1000  }
0x35: {  	[sflag:s0] =	ssyncset.done $0x0  }
0x36: {  	s13 =	rddreg [dreg:$0x7];
	[sflag:s0] =	ssyncadd.s32 $0xFFFFF000  }
0x37: {  	[spmem:s13] =	stream.linear.scatter [tilespmem:s31], [sflag:$0x3], $0x1000, $0x38;
	[tilespmem:$0x1EE20] =	vst v63  }
0x38: {  	_ =	swait.ge [sflag:s0], $0x1000  }
0x39: {  	[sflag:s0] =	ssyncset.done $0x0  }
0x3a: {  	s14 =	rddreg [dreg:$0x8];
	[sflag:s0] =	ssyncadd.s32 $0xFFFFF000  }
0x3b: {  	[spmem:s14] =	stream.linear.scatter [tilespmem:s31], [sflag:$0x3], $0x1000, $0x38;
	[tilespmem:$0x1EE20] =	vst v63  }
0x3c: {  	_ =	swait.ge [sflag:s0], $0x1000  }
0x3d: {  	[sflag:s0] =	ssyncset.done $0x0  }
0x3e: {  	s11 =	rddreg [dreg:$0x9];
	[sflag:s0] =	ssyncadd.s32 $0xFFFFF000  }
0x3f: {  	[spmem:s11] =	stream.linear.scatter [tilespmem:s31], [sflag:$0x3], $0x1000, $0x38;
	[tilespmem:$0x1EE20] =	vst v63  }
0x40: {  	_ =	swait.ge [sflag:s0], $0x1000  }
0x41: {  	[sflag:s0] =	ssyncset.done $0x0  }
0x42: {  	s12 =	rddreg [dreg:$0xa];
	[sflag:s0] =	ssyncadd.s32 $0xFFFFF000  }
0x43: {  	[spmem:s12] =	stream.linear.scatter [tilespmem:s31], [sflag:$0x3], $0x1000, $0x38;
	[tilespmem:$0x1EE20] =	vst v63  }
0x44: {  	_ =	swait.ge [sflag:s0], $0x1000  }
0x45: {  	[sflag:s0] =	ssyncset.done $0x0  }
0x46: {  	s13 =	rddreg [dreg:$0xb];
	[sflag:s0] =	ssyncadd.s32 $0xFFFFF000  }
0x47: {  	[spmem:s13] =	stream.linear.scatter [tilespmem:s31], [sflag:$0x3], $0x1000, $0x38;
	[tilespmem:$0x1EE20] =	vst v63  }
0x48: {  	_ =	swait.ge [sflag:s0], $0x1000  }
0x49: {  	[sflag:s0] =	ssyncset.done $0x0  }
0x4a: {  	[sflag:s0] =	ssyncadd.s32 $0xFFFFF000  }
0x4b: {  	[spmem:s15] =	stream.linear.scatter [tilespmem:s31], [sflag:$0x3], $0x1000, $0x38;
	[tilespmem:$0x1EE20] =	vst v63  }
0x4c: {  	_ =	swait.ge [sflag:s0], $0x1000  }
0x4d: {  	[sflag:s0] =	ssyncset.done $0x0  }
0x4e: {  	[sflag:s0] =	ssyncadd.s32 $0xFFFFF000  }
0x4f: {  	[spmem:s16] =	stream.linear.scatter [tilespmem:s31], [sflag:$0x3], $0x1000, $0x38;
	[tilespmem:$0x1EE20] =	vst v63  }
0x50: {  	_ =	swait.ge [sflag:s0], $0x1000  }
0x51: {  	[sflag:s0] =	ssyncset.done $0x0  }
0x52: {  	[sflag:s0] =	ssyncadd.s32 $0xFFFFF000  }
0x53: {  	[spmem:s17] =	stream.linear.scatter [tilespmem:s31], [sflag:$0x3], $0x1000, $0x38;
	[tilespmem:$0x1EE20] =	vst v63  }
0x54: {  	_ =	swait.ge [sflag:s0], $0x1000  }
0x55: {  	[sflag:s0] =	ssyncset.done $0x0  }
0x56: {  	[sflag:s0] =	ssyncadd.s32 $0xFFFFF000  }
0x57: {  	[spmem:s18] =	stream.linear.scatter [tilespmem:s31], [sflag:$0x3], $0x1000, $0x38;
	[tilespmem:$0x1EE20] =	vst v63  }
0x58: {  	_ =	swait.ge [sflag:s0], $0x1000  }
0x59: {  	[sflag:s0] =	ssyncset.done $0x0  }
0x5a: {  	[sflag:s0] =	ssyncadd.s32 $0xFFFFF000  }
0x5b: {  	[spmem:s19] =	stream.linear.scatter [tilespmem:s31], [sflag:$0x3], $0x1000, $0x38;
	[tilespmem:$0x1EE20] =	vst v63  }
0x5c: {  	_ =	swait.ge [sflag:s0], $0x1000  }
0x5d: {  	[sflag:s0] =	ssyncset.done $0x0  }
0x5e: {  	[sflag:s0] =	ssyncadd.s32 $0xFFFFF000  }
0x5f: {  	[spmem:s20] =	stream.linear.scatter [tilespmem:s31], [sflag:$0x3], $0x1000, $0x38;
	[tilespmem:$0x1EE20] =	vst v63  }
0x60: {  	_ =	swait.ge [sflag:s0], $0x1000  }
0x61: {  	[sflag:s0] =	ssyncset.done $0x0  }
0x62: {  	[sflag:s0] =	ssyncadd.s32 $0xFFFFF000  }
0x63: {  	[spmem:s21] =	stream.linear.scatter [tilespmem:s31], [sflag:$0x3], $0x1000, $0x38;
	[tilespmem:$0x1EE20] =	vst v63  }
0x64: {  	_ =	swait.ge [sflag:s0], $0x1000  }
0x65: {  	[sflag:s0] =	ssyncset.done $0x0  }
0x66: {  	[sflag:s0] =	ssyncadd.s32 $0xFFFFF000  }
0x67: {  	[spmem:s22] =	stream.linear.scatter [tilespmem:s31], [sflag:$0x3], $0x1000, $0x38;
	[tilespmem:$0x1EE20] =	vst v63  }
0x68: {  	_ =	swait.ge [sflag:s0], $0x1000  }
0x69: {  	[sflag:s0] =	ssyncset.done $0x0  }
0x6a: {  	[sflag:s0] =	ssyncadd.s32 $0xFFFFF000  }
0x6b: {  	[spmem:s23] =	stream.linear.scatter [tilespmem:s31], [sflag:$0x3], $0x1000, $0x38;
	[tilespmem:$0x1EE20] =	vst v63  }
0x6c: {  	_ =	swait.ge [sflag:s0], $0x1000  }
0x6d: {  	[sflag:s0] =	ssyncset.done $0x0  }
0x6e: {  	[sflag:s0] =	ssyncadd.s32 $0xFFFFF000  }
0x6f: {  	[spmem:s24] =	stream.linear.scatter [tilespmem:s31], [sflag:$0x3], $0x1000, $0x38;
	[tilespmem:$0x1EE20] =	vst v63  }
0x70: {  	_ =	swait.ge [sflag:s0], $0x1000  }
0x71: {  	[sflag:s0] =	ssyncset.done $0x0  }
0x72: {  	[sflag:s0] =	ssyncadd.s32 $0xFFFFF000  }
0x73: {  	[spmem:s25] =	stream.linear.scatter [tilespmem:s31], [sflag:$0x3], $0x1000, $0x38;
	[tilespmem:$0x1EE20] =	vst v63  }
0x74: {  	_ =	swait.ge [sflag:s0], $0x1000  }
0x75: {  	[sflag:s0] =	ssyncset.done $0x0  }
0x76: {  	[sflag:s0] =	ssyncadd.s32 $0xFFFFF000  }
0x77: {  	[spmem:s26] =	stream.linear.scatter [tilespmem:s31], [sflag:$0x3], $0x1000, $0x38;
	[tilespmem:$0x1EE20] =	vst v63  }
0x78: {  	_ =	swait.ge [sflag:s0], $0x1000  }
0x79: {  	[sflag:s0] =	ssyncset.done $0x0  }
0x7a: {  	[sflag:s0] =	ssyncadd.s32 $0xFFFFF000  }
0x7b: {  	_ =	swait.ge [sflag:s0], $0x1000  }
0x7c: {  	[sflag:s0] =	ssyncset.done $0x0  }
0x7d: {  	[sflag:s0] =	ssyncadd.s32 $0xFFFFF000  }
0x7e: {  	_ =	swait.ge [sflag:s1], $0x2710  }
0x7f: {  	[sflag:s1] =	ssyncset.done $0x0  }
0x80: {  	[sflag:s1] =	ssyncadd.s32 $0xFFFFD8F0  }
0x81: {  	_ =	swait.ge [sflag:s30], $0x2710  }
0x82: {  	[sflag:s30] =	ssyncset.done $0x0  }
0x83: {  	[sflag:s30] =	ssyncadd.s32 $0xFFFFD8F0  }
0x84: {  	s14 =	simm.s32 $0x0;
	[bflag:$0x0] =	sbarrier.arrive $0xFFFF  }
0x85: {  	[tilespmem:s5], [sflag:$0x1] =	stream.indirect.gather [hbm4b:s4+s3], $0x80, s14, s3, $0xb8;
	[tilespmem:$0x1EE20] =	vst v63  }
0x86: {  	s11 =	simm.s32 $0x50  }
0x87: {  	[tilespmem:s6], [sflag:$0x2] =	stream.indirect.gather [hbm4b:s4+s3], $0x80, s11, s3, $0xb8;
	[tilespmem:$0x1EE20] =	vst v63  }
0x88: {  	_ =	swait.ge [sflag:s1], $0x2800  }
0x89: {  	[sflag:s1] =	ssyncset.done $0x0  }
0x8a: {  	s12 =	simm.s32 $0x2710;
	[sflag:s1] =	ssyncadd.s32 $0xFFFFD800  }
0x8b: {  	[spmem:s2] =	stream.indirect.scatter.add.f32 [tilespmem:s5], [sflag:$0x4], $0x80, s12, s3, $0xb8;
	[tilespmem:$0x1EE20] =	vst v63  }
0x8c: {  	_ =	swait.ge [sflag:s8], $0x2800  }
0x8d: {  	[sflag:s8] =	ssyncset.done $0x0  }
0x8e: {  	s13 =	simm.s32 $0xA0;
	[sflag:s8] =	ssyncadd.s32 $0xFFFFD800  }
0x8f: {  	[tilespmem:s5], [sflag:$0x1] =	stream.indirect.gather [hbm4b:s4+s3], $0x80, s13, s3, $0xb8;
	[tilespmem:$0x1EE20] =	vst v63  }
0x90: {  	_ =	swait.ge [sflag:s30], $0x2800  }
0x91: {  	[sflag:s30] =	ssyncset.done $0x0  }
0x92: {  	s14 =	simm.s32 $0x2760;
	[sflag:s30] =	ssyncadd.s32 $0xFFFFD800  }
0x93: {  	[spmem:s2] =	stream.indirect.scatter.add.f32 [tilespmem:s6], [sflag:$0x4], $0x80, s14, s3, $0xb8;
	[tilespmem:$0x1EE20] =	vst v63  }
0x94: {  	_ =	swait.ge [sflag:s8], $0x2800  }
0x95: {  	s10 =	simm.s32 $0xA0;
	s11 =	simm.s32 $0x500;
	[sflag:s8] =	ssyncset.done $0x0  }
.LBB2_4:
0x96: {  	s12 =	sadd.s32 $0x50, s10  }
0x97: {  	[sflag:s8] =	ssyncadd.s32 $0xFFFFD800;
	s13 =	smov.u32 s11;
	s14 =	sadd.s32 $0x280, s11  }
0x98: {  	[tilespmem:s6], [sflag:$0x2] =	stream.indirect.gather [hbm4b:s4+s3], $0x80, s12, s3, $0xb8;
	[tilespmem:$0x1EE20] =	vst v63  }
0x99: {  	p0 =	sne.s32 s11, $0x9880;
	_ =	swait.ge [sflag:s1], $0x2800  }
0x9a: {  	[sflag:s1] =	ssyncset.done $0x0  }
0x9b: {  	s11 =	sadd.s32 $0x2710, s10;
	[sflag:s1] =	ssyncadd.s32 $0xFFFFD800  }
0x9c: {  	[spmem:s2] =	stream.indirect.scatter.add.f32 [tilespmem:s5], [sflag:$0x4], $0x80, s11, s3, $0xb8;
	[tilespmem:$0x1EE20] =	vst v63  }
0x9d: {  	_ =	swait.ge [sflag:s8], $0x2800  }
0x9e: {  	[sflag:s8] =	ssyncset.done $0x0  }
0x9f: {  	s11 =	sadd.s32 $0xA0, s10;
	[sflag:s8] =	ssyncadd.s32 $0xFFFFD800  }
0xa0: {  	[tilespmem:s5], [sflag:$0x1] =	stream.indirect.gather [hbm4b:s4+s3], $0x80, s11, s3, $0xb8;
	[tilespmem:$0x1EE20] =	vst v63  }
0xa1: {  	_ =	swait.ge [sflag:s30], $0x2800  }
.Ltmp1:
0xa2: {  	[sflag:s30] =	ssyncset.done $0x0;
	(pc) =	sbr.rel @p0 .LBB2_4-.Ltmp1, $4  }
0xa3: {  	s10 =	sadd.s32 $0x2760, s10;
	[sflag:s30] =	ssyncadd.s32 $0xFFFFD800  }
0xa4: {  	[spmem:s2] =	stream.indirect.scatter.add.f32 [tilespmem:s6], [sflag:$0x4], $0x80, s10, s3, $0xb8;
	[tilespmem:$0x1EE20] =	vst v63  }
0xa5: {  	_ =	swait.ge [sflag:s8], $0x2800  }
0xa6: {  	s11 =	smov.u32 s14;
	s10 =	sshra.s32 s13, $0x2;
	[sflag:s8] =	ssyncset.done $0x0  }
0xa7: {  	s11 =	sadd.s32 $0x50, s10;
	[sflag:s8] =	ssyncadd.s32 $0xFFFFD800  }
0xa8: {  	[tilespmem:s6], [sflag:$0x2] =	stream.indirect.gather [hbm4b:s4+s3], $0x80, s11, s3, $0xb8;
	[tilespmem:$0x1EE20] =	vst v63  }
0xa9: {  	_ =	swait.ge [sflag:s1], $0x2800  }
0xaa: {  	[sflag:s1] =	ssyncset.done $0x0  }
0xab: {  	s13 =	sadd.s32 $0x2710, s10;
	[sflag:s1] =	ssyncadd.s32 $0xFFFFD800  }
0xac: {  	[spmem:s2] =	stream.indirect.scatter.add.f32 [tilespmem:s5], [sflag:$0x4], $0x80, s13, s3, $0xb8;
	[tilespmem:$0x1EE20] =	vst v63  }
0xad: {  	_ =	swait.ge [sflag:s8], $0x2800  }
0xae: {  	[sflag:s8] =	ssyncset.done $0x0  }
0xaf: {  	s14 =	sadd.s32 $0xA0, s10;
	[sflag:s8] =	ssyncadd.s32 $0xFFFFD800  }
0xb0: {  	[tilespmem:s5], [sflag:$0x1] =	stream.indirect.gather [hbm4b:s4+s3], $0x80, s14, s3, $0xb8;
	[tilespmem:$0x1EE20] =	vst v63  }
0xb1: {  	_ =	swait.ge [sflag:s30], $0x2800  }
0xb2: {  	[sflag:s30] =	ssyncset.done $0x0  }
0xb3: {  	s11 =	sadd.s32 $0x2760, s10;
	[sflag:s30] =	ssyncadd.s32 $0xFFFFD800  }
0xb4: {  	[spmem:s2] =	stream.indirect.scatter.add.f32 [tilespmem:s6], [sflag:$0x4], $0x80, s11, s3, $0xb8;
	[tilespmem:$0x1EE20] =	vst v63  }
0xb5: {  	_ =	swait.ge [sflag:s8], $0x2800  }
0xb6: {  	[sflag:s8] =	ssyncset.done $0x0  }
0xb7: {  	[sflag:s8] =	ssyncadd.s32 $0xFFFFD800  }
0xb8: {  	_ =	swait.ge [sflag:s1], $0x2800  }
0xb9: {  	[sflag:s1] =	ssyncset.done $0x0  }
0xba: {  	s12 =	simm.s32 $0x4DD0;
	[sflag:s1] =	ssyncadd.s32 $0xFFFFD800  }
0xbb: {  	[spmem:s2] =	stream.indirect.scatter.add.f32 [tilespmem:s5], [sflag:$0x4], $0x80, s12, s3, $0xb8;
	[tilespmem:$0x1EE20] =	vst v63  }
0xbc: {  	s13 =	stileid.u32;
	_ =	swait.ge [sflag:s8], $0x2800  }
0xbd: {  	s9 =	sadd.s32 $0x1, s9;
	s10 =	sshll.u32 s13, $0x6;
	[sflag:s8] =	ssyncset.done $0x0  }
0xbe: {  	p0 =	sne.s32 s9, s29;
	s10 =	sor.u32 $0x1C04, s10;
	[sflag:s8] =	ssyncadd.s32 $0xFFFFD800  }
.Ltmp2:
0xbf: {  	s14 =	sshrl.u32 s7, $0x3;
	[bflag:$0x0] =	sbarrier.arrive $0xFFFF;
	(pc) =	sbr.rel @p0 .LBB2_1-.Ltmp2, $4  }
0xc0: {  	[hbm:s28], [sflag:s10] =	dma.local [spmem:s14], $0x2800  }
0xc1: {  	_ =	swait.ge [sflag:s8], $0x2800  }
0xc2: {  	[sflag:s8] =	ssyncset.done $0x0  }
0xc3: {  	[sflag:s8] =	ssyncadd.s32 $0xFFFFD800  }
0xc4: {  	_ =	sfence.sel $0x180000  }
0xc5: {  	[bflag:$0x0] =	sbarrier.arrive $0xFFFF  }
0xc6: {  	_ =	strace $0x9000004A  }
0xc7: {  	s0 =	stileid.u32;
	[bflag:$0x2] =	sbarrier.arrive $0xFFFF  }
0xc8: {  	p0 =	sne.s32 s0, $0x0;
	s0 =	rddreg [dreg:$0x2]  }
0xc9: {  	s0 =	sadd.s32 @!p0 $0x100000, s0  }
0xca: {  	[sflag:s0] =	ssyncadd.tile.s32 @!p0 $0x1;
	_ =	shalt  }
.Lfunc_end2:
_tile_overlayer_lowered:
.L_overlay_start_2:
0xcb: {  	(tag) =	ssettag $0x2  }
0xcc: {  	s0 =	rddreg [dreg:$0x0];
	s2 =	stileid.u32  }
0xcd: {  	s1 =	rddreg [dreg:$0x1];
	p0 =	sne.s32 s2, $0x0  }
0xce: {  	s3 =	rddreg [dreg:$0x2];
	[bflag:$0x3] =	sbarrier.arrive $0xFFFF;
	s2 =	simm.s32 @!p0 $0x1C04  }
0xcf: {  	[timem:s3], [sflag:s2] =	dma.local @!p0 [hbm:s0], s1  }
0xd0: {  	s0 =	simm.s32 @!p0 $0x4  }
0xd1: {  	_ =	swait.ge @!p0 [sflag:s0], s1  }
0xd2: {  	s1 =	ssub.s32 @!p0 $0x0, s1;
	[sflag:s0] =	ssyncset.done @!p0 $0x0  }
0xd3: {  	[sflag:s0] =	ssyncadd.s32 @!p0 s1  }
0xd4: {  	[bflag:$0x3] =	sbarrier.arrive $0xFFFF  }
0xd5: {  	_ =	shalt  }

</sc_bundles>
